<compile_context>
chip_gen: v7x
topology: tpu7x:2x2x1
jax: 0.10.2.dev20260603
libtpu: 0.0.44.dev20260713+nightly
codegen_flags: <defaults>
</compile_context>

<pallas_src>
import functools

import jax
import jax.numpy as jnp
from jax import lax
from jax.experimental import pallas as pl
from jax.experimental.pallas import tpu as pltpu
from jax.experimental.pallas import tpu_sc as plsc

NW = 32
LANES = 16
CHUNK = 128
NCH = 2


def _make_row_gather(n_rows: int, d: int, dtype):
    mesh = plsc.VectorSubcoreMesh(core_axis_name="c", subcore_axis_name="s")
    bpw = n_rows // NW
    ch = min(CHUNK, bpw)
    nch = bpw // ch

    @functools.partial(
        pl.kernel,
        mesh=mesh,
        out_type=jax.ShapeDtypeStruct((n_rows, d), dtype),
        scratch_types=[
            pltpu.VMEM((bpw,), jnp.int32),
            pltpu.VMEM((ch, d), dtype),
            pltpu.VMEM((ch, d), dtype),
            pltpu.SemaphoreType.DMA,
            pltpu.SemaphoreType.DMA,
            pltpu.SemaphoreType.DMA,
            pltpu.SemaphoreType.DMA,
        ],
    )
    def gather(src_hbm, idx_hbm, out_hbm, idx_v, r0, r1, gs0, gs1, ws0, ws1):
        wid = lax.axis_index("s") * 2 + lax.axis_index("c")
        base = wid * bpw
        pltpu.sync_copy(idx_hbm.at[pl.ds(base, bpw)], idx_v)
        bufs = (r0, r1)
        gsem = (gs0, gs1)
        wsem = (ws0, ws1)
        gh = [None] * nch
        wh = [None] * nch
        for c in range(nch):
            if c >= 2:
                wh[c - 2].wait()
            gh[c] = pltpu.async_copy(
                src_hbm.at[idx_v.at[pl.ds(c * ch, ch)]], bufs[c % 2],
                gsem[c % 2])
            if c >= 1:
                gh[c - 1].wait()
                wh[c - 1] = pltpu.async_copy(
                    bufs[(c - 1) % 2],
                    out_hbm.at[pl.ds(base + (c - 1) * ch, ch)],
                    wsem[(c - 1) % 2])
        gh[nch - 1].wait()
        wh[nch - 1] = pltpu.async_copy(
            bufs[(nch - 1) % 2],
            out_hbm.at[pl.ds(base + (nch - 1) * ch, ch)], wsem[(nch - 1) % 2])
        if nch >= 2:
            wh[nch - 2].wait()
        wh[nch - 1].wait()

    return gather


def _make_row_scatter(n_rows: int, d: int, dtype, n_chunks: int):
    mesh = plsc.VectorSubcoreMesh(core_axis_name="c", subcore_axis_name="s")
    bpw = n_rows // NW
    nch = bpw // CHUNK
    tiles_per_chunk = NW // n_chunks

    @functools.partial(
        pl.kernel,
        mesh=mesh,
        out_type=jax.ShapeDtypeStruct((n_rows, d), dtype),
        scratch_types=[
            pltpu.VMEM((CHUNK,), jnp.int32),
            pltpu.VMEM((CHUNK, d), dtype),
            pltpu.SemaphoreType.DMA,
        ],
    )
    def scatter(*args):
        srcs = args[:n_chunks]
        idx_hbm = args[n_chunks]
        out_hbm = args[n_chunks + 1]
        idx_v, rows_v, sem = args[n_chunks + 2:]
        wid = lax.axis_index("s") * 2 + lax.axis_index("c")
        for k in range(n_chunks):
            lo = k * tiles_per_chunk
            @pl.when((wid >= lo) & (wid < lo + tiles_per_chunk))
            def _():
                for c in range(nch):
                    base = wid * bpw + c * CHUNK
                    local = (wid - lo) * bpw + c * CHUNK
                    pltpu.sync_copy(idx_hbm.at[pl.ds(base, CHUNK)], idx_v)
                    pltpu.sync_copy(srcs[k].at[pl.ds(local, CHUNK)], rows_v)
                    pltpu.async_copy(rows_v, out_hbm.at[idx_v], sem).wait()

    return scatter


def _gmm_body(ends_ref, xs_ref, w_ref, b_ref, out_ref, *, block_rows, n_exp,
              row_base):
    i = pl.program_id(0)
    row0 = row_base + i * block_rows
    ridx = row0 + lax.broadcasted_iota(jnp.int32, (block_rows, 1), 0)
    e_row = jnp.zeros((block_rows, 1), jnp.int32)
    e_lo = jnp.int32(0)
    e_hi = jnp.int32(0)
    for e in range(n_exp - 1):
        end_e = ends_ref[e]
        e_row = e_row + (ridx >= end_e).astype(jnp.int32)
        e_lo = e_lo + (row0 >= end_e).astype(jnp.int32)
        e_hi = e_hi + (row0 + block_rows - 1 >= end_e).astype(jnp.int32)

    x = xs_ref[:]

    def body(e, _):
        y = jnp.dot(x, w_ref[e], preferred_element_type=jnp.float32)
        y = y + b_ref[e]
        out_ref[:] = jnp.where(e_row == e, y, out_ref[:])
        return 0

    out_ref[:] = jnp.zeros_like(out_ref)
    lax.fori_loop(e_lo, e_hi + 1, body, 0)


def _grouped_matmul(ends, xs, w, b3, block_rows: int, row_base: int):
    rows, d_in = xs.shape
    n_exp, _, d_out = w.shape
    grid = (rows // block_rows,)
    grid_spec = pltpu.PrefetchScalarGridSpec(
        num_scalar_prefetch=1,
        grid=grid,
        in_specs=[
            pl.BlockSpec((block_rows, d_in), lambda i, ends: (i, 0)),
            pl.BlockSpec((n_exp, d_in, d_out), lambda i, ends: (0, 0, 0)),
            pl.BlockSpec((n_exp, 1, d_out), lambda i, ends: (0, 0, 0)),
        ],
        out_specs=pl.BlockSpec((block_rows, d_out), lambda i, ends: (i, 0)),
    )
    return pl.pallas_call(
        functools.partial(_gmm_body, block_rows=block_rows, n_exp=n_exp,
                          row_base=row_base),
        grid_spec=grid_spec,
        out_shape=jax.ShapeDtypeStruct((rows, d_out), jnp.float32),
        compiler_params=pltpu.CompilerParams(
            dimension_semantics=("arbitrary",),
        ),
    )(ends, xs, w, b3)


def kernel(X, D, W, b):
    n, d_in = X.shape
    n_exp, _, d_out = W.shape
    rows_per_chunk = n // NCH

    key = D.astype(jnp.int32) * n + jnp.arange(n, dtype=jnp.int32)
    skey = jnp.sort(key)
    perm = skey % n
    ends = jnp.searchsorted(
        skey, (jnp.arange(n_exp, dtype=jnp.int32) + 1) * n).astype(jnp.int32)

    gather = _make_row_gather(rows_per_chunk, d_in, X.dtype)
    b3 = b.reshape(n_exp, 1, d_out)
    ys = []
    for k in range(NCH):
        perm_k = lax.dynamic_slice_in_dim(perm, k * rows_per_chunk,
                                          rows_per_chunk)
        xs_k = gather(X, perm_k)
        ys.append(_grouped_matmul(ends, xs_k, W, b3, block_rows=512,
                                  row_base=k * rows_per_chunk))

    scatter = _make_row_scatter(n, d_out, jnp.float32, NCH)
    theta = scatter(*ys, perm)
    return theta

# --- scband reference (transcript-rebuilt; emitter-appended) ---
"""Pipeline reference for scband-aggregate-conditioner-5540507812142 (READ-ONLY COPY).

The authoritative reference and input builder live on the scoring server;
editing this copy changes nothing except your own understanding.
"""

import jax, jax.numpy as jnp
import numpy as np

E = 8
D_IN = 768
D_OUT = 768
N = 8192

def setup_inputs(seed: int = 0) -> dict:
    key = jax.random.key(seed)
    k1, k2, k3, k4 = jax.random.split(key, 4)
    X = jax.random.normal(k1, (N, D_IN), dtype=jnp.float32)
    D = jax.random.randint(k2, (N,), 0, E, dtype=jnp.int32)
    # Per-domain conditioner parameters (each conditioner = nn.Linear(D_IN, D_OUT))
    W = jax.random.normal(k3, (E, D_IN, D_OUT), dtype=jnp.float32) * (1.0 / np.sqrt(D_IN))
    b = jax.random.normal(k4, (E, D_OUT), dtype=jnp.float32) * 0.01
    return {"X": X, "D": D, "W": W, "b": b}

def reference(X, D, W, b):
    # Faithful translation of AggregateConditioner.forward:
    #   theta = zeros(M, output_dim)
    #   for d in unique(D): theta[D == d] = conditioners[d](X[D == d])
    # Each token belongs to exactly one domain, so masked overwrite per expert
    # reproduces theta exactly (zeros remain only for absent domains).
    theta0 = jnp.zeros((X.shape[0], W.shape[2]), dtype=X.dtype)
    def body(theta, e):
        y = X @ W[e] + b[e]           # conditioners[e](X) applied to all rows
        mask = (D == e)
        theta = jnp.where(mask[:, None], y, theta)  # scatter-overwrite rows of this domain
        return theta, None
    theta, _ = jax.lax.scan(body, theta0, jnp.arange(W.shape[0]))
    return theta

if __name__ == "__main__":
    import jax
    _d = setup_inputs()
    print(jax.jit(kernel)(*tuple(_d.values())))

</pallas_src>

<mosaic_0001>
#map = affine_map<(d0, d1) -> (0, 0)>
#map1 = affine_map<(d0, d1) -> (0)>
module attributes {stable_mosaic.version = 14 : i64} {
  func.func @gather(%arg0: i32, %arg1: i32, %arg2: memref<8192x768xf32, #tpu.memory_space<hbm>>, %arg3: memref<4096xi32, #tpu.memory_space<hbm>>, %arg4: memref<4096x768xf32, #tpu.memory_space<hbm>>, %arg5: memref<128xi32, #tpu.memory_space<vmem>>, %arg6: memref<128x768xf32, #tpu.memory_space<vmem>>, %arg7: memref<128x768xf32, #tpu.memory_space<vmem>>, %arg8: memref<!tpu.dma_semaphore, #tpu.memory_space<semaphore_mem>>, %arg9: memref<!tpu.dma_semaphore, #tpu.memory_space<semaphore_mem>>, %arg10: memref<!tpu.dma_semaphore, #tpu.memory_space<semaphore_mem>>, %arg11: memref<!tpu.dma_semaphore, #tpu.memory_space<semaphore_mem>>) attributes {dimension_semantics = [#tpu.dimension_semantics<core_parallel>, #tpu.dimension_semantics<subcore_parallel>], iteration_bounds = array<i64: 2, 16>, scalar_prefetch = 0 : i64, scratch_operands = 7 : i64, tpu.core_type = #tpu.core_type<sc_vector_subcore>, window_params = [{transform_indices = #map}, {transform_indices = #map1}, {transform_indices = #map}]} {
    %mul3A = arith.constant 2 : i32
    %mul3A_0 = arith.muli %arg1, %mul3A : i32
    %add3A = arith.addi %mul3A_0, %arg0 : i32
    %mul3A_1 = arith.constant 128 : i32
    %mul3A_2 = arith.muli %add3A, %mul3A_1 : i32
    "tpu.region"() ({
      %run_scoped3A = tpu.sem_alloc : memref<!tpu.dma_semaphore, #tpu.memory_space<semaphore_mem>>
      %dma_start3A_21 = tpu.memref_slice %arg3[%mul3A_2] : memref<4096xi32, #tpu.memory_space<hbm>> -> memref<128xi32, #tpu.memory_space<hbm>>
      %dma_start3A_22 = tpu.memref_slice %arg3[%mul3A_2] : memref<4096xi32, #tpu.memory_space<hbm>> -> memref<128xi32, #tpu.memory_space<hbm>>
      tpu.enqueue_dma source(%dma_start3A_22 : memref<128xi32, #tpu.memory_space<hbm>>) target(%arg5 : memref<128xi32, #tpu.memory_space<vmem>>) target_semaphore(%run_scoped3A : memref<!tpu.dma_semaphore, #tpu.memory_space<semaphore_mem>>)
      %dma_wait3A_23 = tpu.memref_slice %arg3[%mul3A_2] : memref<4096xi32, #tpu.memory_space<hbm>> -> memref<128xi32, #tpu.memory_space<hbm>>
      %dma_wait3A_24 = tpu.memref_slice %arg3[%mul3A_2] : memref<4096xi32, #tpu.memory_space<hbm>> -> memref<128xi32, #tpu.memory_space<hbm>>
      tpu.wait_dma2 semaphore(%run_scoped3A : memref<!tpu.dma_semaphore, #tpu.memory_space<semaphore_mem>>) src(%dma_wait3A_24 : memref<128xi32, #tpu.memory_space<hbm>>) dst(%arg5 : memref<128xi32, #tpu.memory_space<vmem>>)
      tpu.yield
    }) : () -> ()
    %dma_start3A = arith.constant 0 : i32
    %dma_start3A_3 = tpu.memref_slice %arg5[%dma_start3A] : memref<128xi32, #tpu.memory_space<vmem>> -> memref<128xi32, #tpu.memory_space<vmem>>
    %dma_start3A_4 = arith.constant 0 : i32
    %dma_start3A_5 = arith.constant 0 : i32
    %dma_start3A_6 = tpu.memref_slice %arg2[%dma_start3A_4, %dma_start3A_5] : memref<8192x768xf32, #tpu.memory_space<hbm>> -> memref<8192x768xf32, #tpu.memory_space<hbm>>
    tpu.enqueue_indirect_dma source(%dma_start3A_6 : memref<8192x768xf32, #tpu.memory_space<hbm>>) target(%arg6 : memref<128x768xf32, #tpu.memory_space<vmem>>) offsets(%dma_start3A_3 : memref<128xi32, #tpu.memory_space<vmem>>) semaphore(%arg8 : memref<!tpu.dma_semaphore, #tpu.memory_space<semaphore_mem>>)
    %dma_wait3A = arith.constant 0 : i32
    %dma_wait3A_7 = tpu.memref_slice %arg5[%dma_wait3A] : memref<128xi32, #tpu.memory_space<vmem>> -> memref<128xi32, #tpu.memory_space<vmem>>
    %dma_wait3A_8 = arith.constant 0 : i32
    %dma_wait3A_9 = arith.constant 0 : i32
    %dma_wait3A_10 = tpu.memref_slice %arg2[%dma_wait3A_8, %dma_wait3A_9] : memref<8192x768xf32, #tpu.memory_space<hbm>> -> memref<8192x768xf32, #tpu.memory_space<hbm>>
    tpu.wait_indirect_dma semaphore(%arg8 : memref<!tpu.dma_semaphore, #tpu.memory_space<semaphore_mem>>) src(%dma_wait3A_10 : memref<8192x768xf32, #tpu.memory_space<hbm>>) dst(%arg6 : memref<128x768xf32, #tpu.memory_space<vmem>>)
    %add3A_11 = arith.constant 0 : i32
    %add3A_12 = arith.addi %mul3A_2, %add3A_11 : i32
    %dma_start3A_13 = arith.constant 0 : i32
    %dma_start3A_14 = tpu.memref_slice %arg4[%add3A_12, %dma_start3A_13] : memref<4096x768xf32, #tpu.memory_space<hbm>> -> memref<128x768xf32, #tpu.memory_space<hbm>>
    %dma_start3A_15 = arith.constant 0 : i32
    %dma_start3A_16 = tpu.memref_slice %arg4[%add3A_12, %dma_start3A_15] : memref<4096x768xf32, #tpu.memory_space<hbm>> -> memref<128x768xf32, #tpu.memory_space<hbm>>
    tpu.enqueue_dma source(%arg6 : memref<128x768xf32, #tpu.memory_space<vmem>>) target(%dma_start3A_16 : memref<128x768xf32, #tpu.memory_space<hbm>>) target_semaphore(%arg10 : memref<!tpu.dma_semaphore, #tpu.memory_space<semaphore_mem>>)
    %dma_wait3A_17 = arith.constant 0 : i32
    %dma_wait3A_18 = tpu.memref_slice %arg4[%add3A_12, %dma_wait3A_17] : memref<4096x768xf32, #tpu.memory_space<hbm>> -> memref<128x768xf32, #tpu.memory_space<hbm>>
    %dma_wait3A_19 = arith.constant 0 : i32
    %dma_wait3A_20 = tpu.memref_slice %arg4[%add3A_12, %dma_wait3A_19] : memref<4096x768xf32, #tpu.memory_space<hbm>> -> memref<128x768xf32, #tpu.memory_space<hbm>>
    tpu.wait_dma2 semaphore(%arg10 : memref<!tpu.dma_semaphore, #tpu.memory_space<semaphore_mem>>) src(%arg6 : memref<128x768xf32, #tpu.memory_space<vmem>>) dst(%dma_wait3A_20 : memref<128x768xf32, #tpu.memory_space<hbm>>)
    return
  }
}

#map = affine_map<(d0, d1) -> (0, 0)>
#map1 = affine_map<(d0, d1) -> (0)>
module attributes {stable_mosaic.version = 14 : i64} {
  func.func @gather(%arg0: i32, %arg1: i32, %arg2: memref<8192x768xf32, #tpu.memory_space<hbm>>, %arg3: memref<4096xi32, #tpu.memory_space<hbm>>, %arg4: memref<4096x768xf32, #tpu.memory_space<hbm>>, %arg5: memref<128xi32, #tpu.memory_space<vmem>>, %arg6: memref<128x768xf32, #tpu.memory_space<vmem>>, %arg7: memref<128x768xf32, #tpu.memory_space<vmem>>, %arg8: memref<!tpu.dma_semaphore, #tpu.memory_space<semaphore_mem>>, %arg9: memref<!tpu.dma_semaphore, #tpu.memory_space<semaphore_mem>>, %arg10: memref<!tpu.dma_semaphore, #tpu.memory_space<semaphore_mem>>, %arg11: memref<!tpu.dma_semaphore, #tpu.memory_space<semaphore_mem>>) attributes {dimension_semantics = [#tpu.dimension_semantics<core_parallel>, #tpu.dimension_semantics<subcore_parallel>], iteration_bounds = array<i64: 2, 16>, scalar_prefetch = 0 : i64, scratch_operands = 7 : i64, tpu.core_type = #tpu.core_type<sc_vector_subcore>, window_params = [{transform_indices = #map}, {transform_indices = #map1}, {transform_indices = #map}]} {
    %mul3A = arith.constant 2 : i32
    %mul3A_0 = arith.muli %arg1, %mul3A : i32
    %add3A = arith.addi %mul3A_0, %arg0 : i32
    %mul3A_1 = arith.constant 128 : i32
    %mul3A_2 = arith.muli %add3A, %mul3A_1 : i32
    "tpu.region"() ({
      %run_scoped3A = tpu.sem_alloc : memref<!tpu.dma_semaphore, #tpu.memory_space<semaphore_mem>>
      %dma_start3A_21 = tpu.memref_slice %arg3[%mul3A_2] : memref<4096xi32, #tpu.memory_space<hbm>> -> memref<128xi32, #tpu.memory_space<hbm>>
      %dma_start3A_22 = tpu.memref_slice %arg3[%mul3A_2] : memref<4096xi32, #tpu.memory_space<hbm>> -> memref<128xi32, #tpu.memory_space<hbm>>
      tpu.enqueue_dma source(%dma_start3A_22 : memref<128xi32, #tpu.memory_space<hbm>>) target(%arg5 : memref<128xi32, #tpu.memory_space<vmem>>) target_semaphore(%run_scoped3A : memref<!tpu.dma_semaphore, #tpu.memory_space<semaphore_mem>>)
      %dma_wait3A_23 = tpu.memref_slice %arg3[%mul3A_2] : memref<4096xi32, #tpu.memory_space<hbm>> -> memref<128xi32, #tpu.memory_space<hbm>>
      %dma_wait3A_24 = tpu.memref_slice %arg3[%mul3A_2] : memref<4096xi32, #tpu.memory_space<hbm>> -> memref<128xi32, #tpu.memory_space<hbm>>
      tpu.wait_dma2 semaphore(%run_scoped3A : memref<!tpu.dma_semaphore, #tpu.memory_space<semaphore_mem>>) src(%dma_wait3A_24 : memref<128xi32, #tpu.memory_space<hbm>>) dst(%arg5 : memref<128xi32, #tpu.memory_space<vmem>>)
      tpu.yield
    }) : () -> ()
    %dma_start3A = arith.constant 0 : i32
    %dma_start3A_3 = tpu.memref_slice %arg5[%dma_start3A] : memref<128xi32, #tpu.memory_space<vmem>> -> memref<128xi32, #tpu.memory_space<vmem>>
    %dma_start3A_4 = arith.constant 0 : i32
    %dma_start3A_5 = arith.constant 0 : i32
    %dma_start3A_6 = tpu.memref_slice %arg2[%dma_start3A_4, %dma_start3A_5] : memref<8192x768xf32, #tpu.memory_space<hbm>> -> memref<8192x768xf32, #tpu.memory_space<hbm>>
    tpu.enqueue_indirect_dma source(%dma_start3A_6 : memref<8192x768xf32, #tpu.memory_space<hbm>>) target(%arg6 : memref<128x768xf32, #tpu.memory_space<vmem>>) offsets(%dma_start3A_3 : memref<128xi32, #tpu.memory_space<vmem>>) semaphore(%arg8 : memref<!tpu.dma_semaphore, #tpu.memory_space<semaphore_mem>>)
    %dma_wait3A = arith.constant 0 : i32
    %dma_wait3A_7 = tpu.memref_slice %arg5[%dma_wait3A] : memref<128xi32, #tpu.memory_space<vmem>> -> memref<128xi32, #tpu.memory_space<vmem>>
    %dma_wait3A_8 = arith.constant 0 : i32
    %dma_wait3A_9 = arith.constant 0 : i32
    %dma_wait3A_10 = tpu.memref_slice %arg2[%dma_wait3A_8, %dma_wait3A_9] : memref<8192x768xf32, #tpu.memory_space<hbm>> -> memref<8192x768xf32, #tpu.memory_space<hbm>>
    tpu.wait_indirect_dma semaphore(%arg8 : memref<!tpu.dma_semaphore, #tpu.memory_space<semaphore_mem>>) src(%dma_wait3A_10 : memref<8192x768xf32, #tpu.memory_space<hbm>>) dst(%arg6 : memref<128x768xf32, #tpu.memory_space<vmem>>)
    %add3A_11 = arith.constant 0 : i32
    %add3A_12 = arith.addi %mul3A_2, %add3A_11 : i32
    %dma_start3A_13 = arith.constant 0 : i32
    %dma_start3A_14 = tpu.memref_slice %arg4[%add3A_12, %dma_start3A_13] : memref<4096x768xf32, #tpu.memory_space<hbm>> -> memref<128x768xf32, #tpu.memory_space<hbm>>
    %dma_start3A_15 = arith.constant 0 : i32
    %dma_start3A_16 = tpu.memref_slice %arg4[%add3A_12, %dma_start3A_15] : memref<4096x768xf32, #tpu.memory_space<hbm>> -> memref<128x768xf32, #tpu.memory_space<hbm>>
    tpu.enqueue_dma source(%arg6 : memref<128x768xf32, #tpu.memory_space<vmem>>) target(%dma_start3A_16 : memref<128x768xf32, #tpu.memory_space<hbm>>) target_semaphore(%arg10 : memref<!tpu.dma_semaphore, #tpu.memory_space<semaphore_mem>>)
    %dma_wait3A_17 = arith.constant 0 : i32
    %dma_wait3A_18 = tpu.memref_slice %arg4[%add3A_12, %dma_wait3A_17] : memref<4096x768xf32, #tpu.memory_space<hbm>> -> memref<128x768xf32, #tpu.memory_space<hbm>>
    %dma_wait3A_19 = arith.constant 0 : i32
    %dma_wait3A_20 = tpu.memref_slice %arg4[%add3A_12, %dma_wait3A_19] : memref<4096x768xf32, #tpu.memory_space<hbm>> -> memref<128x768xf32, #tpu.memory_space<hbm>>
    tpu.wait_dma2 semaphore(%arg10 : memref<!tpu.dma_semaphore, #tpu.memory_space<semaphore_mem>>) src(%arg6 : memref<128x768xf32, #tpu.memory_space<vmem>>) dst(%dma_wait3A_20 : memref<128x768xf32, #tpu.memory_space<hbm>>)
    return
  }
}

#map = affine_map<(d0, d1) -> (0, 0)>
#map1 = affine_map<(d0, d1) -> (0)>
module attributes {stable_mosaic.version = 14 : i64} {
  func.func @scatter(%arg0: i32, %arg1: i32, %arg2: memref<4096x768xf32, #tpu.memory_space<hbm>>, %arg3: memref<4096x768xf32, #tpu.memory_space<hbm>>, %arg4: memref<8192xi32, #tpu.memory_space<hbm>>, %arg5: memref<8192x768xf32, #tpu.memory_space<hbm>>, %arg6: memref<128xi32, #tpu.memory_space<vmem>>, %arg7: memref<128x768xf32, #tpu.memory_space<vmem>>, %arg8: memref<!tpu.dma_semaphore, #tpu.memory_space<semaphore_mem>>) attributes {dimension_semantics = [#tpu.dimension_semantics<core_parallel>, #tpu.dimension_semantics<subcore_parallel>], iteration_bounds = array<i64: 2, 16>, scalar_prefetch = 0 : i64, scratch_operands = 3 : i64, tpu.core_type = #tpu.core_type<sc_vector_subcore>, window_params = [{transform_indices = #map}, {transform_indices = #map}, {transform_indices = #map1}, {transform_indices = #map}]} {
    %mul3A = arith.constant 2 : i32
    %mul3A_0 = arith.muli %arg1, %mul3A : i32
    %add3A = arith.addi %mul3A_0, %arg0 : i32
    %ge3A = arith.constant 0 : i32
    %ge3A_1 = arith.cmpi sge, %add3A, %ge3A : i32
    %lt3A = arith.constant 16 : i32
    %lt3A_2 = arith.cmpi slt, %add3A, %lt3A : i32
    %and3A = arith.andi %ge3A_1, %lt3A_2 : i1
    %convert_element_type3A = arith.extui %and3A : i1 to i32
    %cond3A = arith.constant 0 : i32
    %cond3A_3 = arith.cmpi ne, %convert_element_type3A, %cond3A : i32
    scf.if %cond3A_3 {
      %mul3A_12 = arith.constant 256 : i32
      %mul3A_13 = arith.muli %add3A, %mul3A_12 : i32
      %add3A_14 = arith.constant 0 : i32
      %add3A_15 = arith.addi %mul3A_13, %add3A_14 : i32
      %sub3A = arith.constant 0 : i32
      %sub3A_16 = arith.subi %add3A, %sub3A : i32
      %mul3A_17 = arith.constant 256 : i32
      %mul3A_18 = arith.muli %sub3A_16, %mul3A_17 : i32
      %add3A_19 = arith.constant 0 : i32
      %add3A_20 = arith.addi %mul3A_18, %add3A_19 : i32
      "tpu.region"() ({
        %run_scoped3A = tpu.sem_alloc : memref<!tpu.dma_semaphore, #tpu.memory_space<semaphore_mem>>
        %dma_start3A_41 = tpu.memref_slice %arg4[%add3A_15] : memref<8192xi32, #tpu.memory_space<hbm>> -> memref<128xi32, #tpu.memory_space<hbm>>
        %dma_start3A_42 = tpu.memref_slice %arg4[%add3A_15] : memref<8192xi32, #tpu.memory_space<hbm>> -> memref<128xi32, #tpu.memory_space<hbm>>
        tpu.enqueue_dma source(%dma_start3A_42 : memref<128xi32, #tpu.memory_space<hbm>>) target(%arg6 : memref<128xi32, #tpu.memory_space<vmem>>) target_semaphore(%run_scoped3A : memref<!tpu.dma_semaphore, #tpu.memory_space<semaphore_mem>>)
        %dma_wait3A_43 = tpu.memref_slice %arg4[%add3A_15] : memref<8192xi32, #tpu.memory_space<hbm>> -> memref<128xi32, #tpu.memory_space<hbm>>
        %dma_wait3A_44 = tpu.memref_slice %arg4[%add3A_15] : memref<8192xi32, #tpu.memory_space<hbm>> -> memref<128xi32, #tpu.memory_space<hbm>>
        tpu.wait_dma2 semaphore(%run_scoped3A : memref<!tpu.dma_semaphore, #tpu.memory_space<semaphore_mem>>) src(%dma_wait3A_44 : memref<128xi32, #tpu.memory_space<hbm>>) dst(%arg6 : memref<128xi32, #tpu.memory_space<vmem>>)
        tpu.yield
      }) : () -> ()
      "tpu.region"() ({
        %run_scoped3A = tpu.sem_alloc : memref<!tpu.dma_semaphore, #tpu.memory_space<semaphore_mem>>
        %dma_start3A_41 = arith.constant 0 : i32
        %dma_start3A_42 = tpu.memref_slice %arg2[%add3A_20, %dma_start3A_41] : memref<4096x768xf32, #tpu.memory_space<hbm>> -> memref<128x768xf32, #tpu.memory_space<hbm>>
        %dma_start3A_43 = arith.constant 0 : i32
        %dma_start3A_44 = tpu.memref_slice %arg2[%add3A_20, %dma_start3A_43] : memref<4096x768xf32, #tpu.memory_space<hbm>> -> memref<128x768xf32, #tpu.memory_space<hbm>>
        tpu.enqueue_dma source(%dma_start3A_44 : memref<128x768xf32, #tpu.memory_space<hbm>>) target(%arg7 : memref<128x768xf32, #tpu.memory_space<vmem>>) target_semaphore(%run_scoped3A : memref<!tpu.dma_semaphore, #tpu.memory_space<semaphore_mem>>)
        %dma_wait3A_45 = arith.constant 0 : i32
        %dma_wait3A_46 = tpu.memref_slice %arg2[%add3A_20, %dma_wait3A_45] : memref<4096x768xf32, #tpu.memory_space<hbm>> -> memref<128x768xf32, #tpu.memory_space<hbm>>
        %dma_wait3A_47 = arith.constant 0 : i32
        %dma_wait3A_48 = tpu.memref_slice %arg2[%add3A_20, %dma_wait3A_47] : memref<4096x768xf32, #tpu.memory_space<hbm>> -> memref<128x768xf32, #tpu.memory_space<hbm>>
        tpu.wait_dma2 semaphore(%run_scoped3A : memref<!tpu.dma_semaphore, #tpu.memory_space<semaphore_mem>>) src(%dma_wait3A_48 : memref<128x768xf32, #tpu.memory_space<hbm>>) dst(%arg7 : memref<128x768xf32, #tpu.memory_space<vmem>>)
        tpu.yield
      }) : () -> ()
      %dma_start3A = arith.constant 0 : i32
      %dma_start3A_21 = arith.constant 0 : i32
      %dma_start3A_22 = tpu.memref_slice %arg5[%dma_start3A, %dma_start3A_21] : memref<8192x768xf32, #tpu.memory_space<hbm>> -> memref<8192x768xf32, #tpu.memory_space<hbm>>
      tpu.enqueue_indirect_dma source(%arg7 : memref<128x768xf32, #tpu.memory_space<vmem>>) target(%dma_start3A_22 : memref<8192x768xf32, #tpu.memory_space<hbm>>) offsets(%arg6 : memref<128xi32, #tpu.memory_space<vmem>>) semaphore(%arg8 : memref<!tpu.dma_semaphore, #tpu.memory_space<semaphore_mem>>)
      %dma_wait3A = arith.constant 0 : i32
      %dma_wait3A_23 = arith.constant 0 : i32
      %dma_wait3A_24 = tpu.memref_slice %arg5[%dma_wait3A, %dma_wait3A_23] : memref<8192x768xf32, #tpu.memory_space<hbm>> -> memref<8192x768xf32, #tpu.memory_space<hbm>>
      tpu.wait_indirect_dma semaphore(%arg8 : memref<!tpu.dma_semaphore, #tpu.memory_space<semaphore_mem>>) src(%arg7 : memref<128x768xf32, #tpu.memory_space<vmem>>) dst(%dma_wait3A_24 : memref<8192x768xf32, #tpu.memory_space<hbm>>)
      %mul3A_25 = arith.constant 256 : i32
      %mul3A_26 = arith.muli %add3A, %mul3A_25 : i32
      %add3A_27 = arith.constant 128 : i32
      %add3A_28 = arith.addi %mul3A_26, %add3A_27 : i32
      %sub3A_29 = arith.constant 0 : i32
      %sub3A_30 = arith.subi %add3A, %sub3A_29 : i32
      %mul3A_31 = arith.constant 256 : i32
      %mul3A_32 = arith.muli %sub3A_30, %mul3A_31 : i32
      %add3A_33 = arith.constant 128 : i32
      %add3A_34 = arith.addi %mul3A_32, %add3A_33 : i32
      "tpu.region"() ({
        %run_scoped3A = tpu.sem_alloc : memref<!tpu.dma_semaphore, #tpu.memory_space<semaphore_mem>>
        %dma_start3A_41 = tpu.memref_slice %arg4[%add3A_28] : memref<8192xi32, #tpu.memory_space<hbm>> -> memref<128xi32, #tpu.memory_space<hbm>>
        %dma_start3A_42 = tpu.memref_slice %arg4[%add3A_28] : memref<8192xi32, #tpu.memory_space<hbm>> -> memref<128xi32, #tpu.memory_space<hbm>>
        tpu.enqueue_dma source(%dma_start3A_42 : memref<128xi32, #tpu.memory_space<hbm>>) target(%arg6 : memref<128xi32, #tpu.memory_space<vmem>>) target_semaphore(%run_scoped3A : memref<!tpu.dma_semaphore, #tpu.memory_space<semaphore_mem>>)
        %dma_wait3A_43 = tpu.memref_slice %arg4[%add3A_28] : memref<8192xi32, #tpu.memory_space<hbm>> -> memref<128xi32, #tpu.memory_space<hbm>>
        %dma_wait3A_44 = tpu.memref_slice %arg4[%add3A_28] : memref<8192xi32, #tpu.memory_space<hbm>> -> memref<128xi32, #tpu.memory_space<hbm>>
        tpu.wait_dma2 semaphore(%run_scoped3A : memref<!tpu.dma_semaphore, #tpu.memory_space<semaphore_mem>>) src(%dma_wait3A_44 : memref<128xi32, #tpu.memory_space<hbm>>) dst(%arg6 : memref<128xi32, #tpu.memory_space<vmem>>)
        tpu.yield
      }) : () -> ()
      "tpu.region"() ({
        %run_scoped3A = tpu.sem_alloc : memref<!tpu.dma_semaphore, #tpu.memory_space<semaphore_mem>>
        %dma_start3A_41 = arith.constant 0 : i32
        %dma_start3A_42 = tpu.memref_slice %arg2[%add3A_34, %dma_start3A_41] : memref<4096x768xf32, #tpu.memory_space<hbm>> -> memref<128x768xf32, #tpu.memory_space<hbm>>
        %dma_start3A_43 = arith.constant 0 : i32
        %dma_start3A_44 = tpu.memref_slice %arg2[%add3A_34, %dma_start3A_43] : memref<4096x768xf32, #tpu.memory_space<hbm>> -> memref<128x768xf32, #tpu.memory_space<hbm>>
        tpu.enqueue_dma source(%dma_start3A_44 : memref<128x768xf32, #tpu.memory_space<hbm>>) target(%arg7 : memref<128x768xf32, #tpu.memory_space<vmem>>) target_semaphore(%run_scoped3A : memref<!tpu.dma_semaphore, #tpu.memory_space<semaphore_mem>>)
        %dma_wait3A_45 = arith.constant 0 : i32
        %dma_wait3A_46 = tpu.memref_slice %arg2[%add3A_34, %dma_wait3A_45] : memref<4096x768xf32, #tpu.memory_space<hbm>> -> memref<128x768xf32, #tpu.memory_space<hbm>>
        %dma_wait3A_47 = arith.constant 0 : i32
        %dma_wait3A_48 = tpu.memref_slice %arg2[%add3A_34, %dma_wait3A_47] : memref<4096x768xf32, #tpu.memory_space<hbm>> -> memref<128x768xf32, #tpu.memory_space<hbm>>
        tpu.wait_dma2 semaphore(%run_scoped3A : memref<!tpu.dma_semaphore, #tpu.memory_space<semaphore_mem>>) src(%dma_wait3A_48 : memref<128x768xf32, #tpu.memory_space<hbm>>) dst(%arg7 : memref<128x768xf32, #tpu.memory_space<vmem>>)
        tpu.yield
      }) : () -> ()
      %dma_start3A_35 = arith.constant 0 : i32
      %dma_start3A_36 = arith.constant 0 : i32
      %dma_start3A_37 = tpu.memref_slice %arg5[%dma_start3A_35, %dma_start3A_36] : memref<8192x768xf32, #tpu.memory_space<hbm>> -> memref<8192x768xf32, #tpu.memory_space<hbm>>
      tpu.enqueue_indirect_dma source(%arg7 : memref<128x768xf32, #tpu.memory_space<vmem>>) target(%dma_start3A_37 : memref<8192x768xf32, #tpu.memory_space<hbm>>) offsets(%arg6 : memref<128xi32, #tpu.memory_space<vmem>>) semaphore(%arg8 : memref<!tpu.dma_semaphore, #tpu.memory_space<semaphore_mem>>)
      %dma_wait3A_38 = arith.constant 0 : i32
      %dma_wait3A_39 = arith.constant 0 : i32
      %dma_wait3A_40 = tpu.memref_slice %arg5[%dma_wait3A_38, %dma_wait3A_39] : memref<8192x768xf32, #tpu.memory_space<hbm>> -> memref<8192x768xf32, #tpu.memory_space<hbm>>
      tpu.wait_indirect_dma semaphore(%arg8 : memref<!tpu.dma_semaphore, #tpu.memory_space<semaphore_mem>>) src(%arg7 : memref<128x768xf32, #tpu.memory_space<vmem>>) dst(%dma_wait3A_40 : memref<8192x768xf32, #tpu.memory_space<hbm>>)
    } else {
    }
    %ge3A_4 = arith.constant 16 : i32
    %ge3A_5 = arith.cmpi sge, %add3A, %ge3A_4 : i32
    %lt3A_6 = arith.constant 32 : i32
    %lt3A_7 = arith.cmpi slt, %add3A, %lt3A_6 : i32
    %and3A_8 = arith.andi %ge3A_5, %lt3A_7 : i1
    %convert_element_type3A_9 = arith.extui %and3A_8 : i1 to i32
    %cond3A_10 = arith.constant 0 : i32
    %cond3A_11 = arith.cmpi ne, %convert_element_type3A_9, %cond3A_10 : i32
    scf.if %cond3A_11 {
      %mul3A_12 = arith.constant 256 : i32
      %mul3A_13 = arith.muli %add3A, %mul3A_12 : i32
      %add3A_14 = arith.constant 0 : i32
      %add3A_15 = arith.addi %mul3A_13, %add3A_14 : i32
      %sub3A = arith.constant 16 : i32
      %sub3A_16 = arith.subi %add3A, %sub3A : i32
      %mul3A_17 = arith.constant 256 : i32
      %mul3A_18 = arith.muli %sub3A_16, %mul3A_17 : i32
      %add3A_19 = arith.constant 0 : i32
      %add3A_20 = arith.addi %mul3A_18, %add3A_19 : i32
      "tpu.region"() ({
        %run_scoped3A = tpu.sem_alloc : memref<!tpu.dma_semaphore, #tpu.memory_space<semaphore_mem>>
        %dma_start3A_41 = tpu.memref_slice %arg4[%add3A_15] : memref<8192xi32, #tpu.memory_space<hbm>> -> memref<128xi32, #tpu.memory_space<hbm>>
        %dma_start3A_42 = tpu.memref_slice %arg4[%add3A_15] : memref<8192xi32, #tpu.memory_space<hbm>> -> memref<128xi32, #tpu.memory_space<hbm>>
        tpu.enqueue_dma source(%dma_start3A_42 : memref<128xi32, #tpu.memory_space<hbm>>) target(%arg6 : memref<128xi32, #tpu.memory_space<vmem>>) target_semaphore(%run_scoped3A : memref<!tpu.dma_semaphore, #tpu.memory_space<semaphore_mem>>)
        %dma_wait3A_43 = tpu.memref_slice %arg4[%add3A_15] : memref<8192xi32, #tpu.memory_space<hbm>> -> memref<128xi32, #tpu.memory_space<hbm>>
        %dma_wait3A_44 = tpu.memref_slice %arg4[%add3A_15] : memref<8192xi32, #tpu.memory_space<hbm>> -> memref<128xi32, #tpu.memory_space<hbm>>
        tpu.wait_dma2 semaphore(%run_scoped3A : memref<!tpu.dma_semaphore, #tpu.memory_space<semaphore_mem>>) src(%dma_wait3A_44 : memref<128xi32, #tpu.memory_space<hbm>>) dst(%arg6 : memref<128xi32, #tpu.memory_space<vmem>>)
        tpu.yield
      }) : () -> ()
      "tpu.region"() ({
        %run_scoped3A = tpu.sem_alloc : memref<!tpu.dma_semaphore, #tpu.memory_space<semaphore_mem>>
        %dma_start3A_41 = arith.constant 0 : i32
        %dma_start3A_42 = tpu.memref_slice %arg3[%add3A_20, %dma_start3A_41] : memref<4096x768xf32, #tpu.memory_space<hbm>> -> memref<128x768xf32, #tpu.memory_space<hbm>>
        %dma_start3A_43 = arith.constant 0 : i32
        %dma_start3A_44 = tpu.memref_slice %arg3[%add3A_20, %dma_start3A_43] : memref<4096x768xf32, #tpu.memory_space<hbm>> -> memref<128x768xf32, #tpu.memory_space<hbm>>
        tpu.enqueue_dma source(%dma_start3A_44 : memref<128x768xf32, #tpu.memory_space<hbm>>) target(%arg7 : memref<128x768xf32, #tpu.memory_space<vmem>>) target_semaphore(%run_scoped3A : memref<!tpu.dma_semaphore, #tpu.memory_space<semaphore_mem>>)
        %dma_wait3A_45 = arith.constant 0 : i32
        %dma_wait3A_46 = tpu.memref_slice %arg3[%add3A_20, %dma_wait3A_45] : memref<4096x768xf32, #tpu.memory_space<hbm>> -> memref<128x768xf32, #tpu.memory_space<hbm>>
        %dma_wait3A_47 = arith.constant 0 : i32
        %dma_wait3A_48 = tpu.memref_slice %arg3[%add3A_20, %dma_wait3A_47] : memref<4096x768xf32, #tpu.memory_space<hbm>> -> memref<128x768xf32, #tpu.memory_space<hbm>>
        tpu.wait_dma2 semaphore(%run_scoped3A : memref<!tpu.dma_semaphore, #tpu.memory_space<semaphore_mem>>) src(%dma_wait3A_48 : memref<128x768xf32, #tpu.memory_space<hbm>>) dst(%arg7 : memref<128x768xf32, #tpu.memory_space<vmem>>)
        tpu.yield
      }) : () -> ()
      %dma_start3A = arith.constant 0 : i32
      %dma_start3A_21 = arith.constant 0 : i32
      %dma_start3A_22 = tpu.memref_slice %arg5[%dma_start3A, %dma_start3A_21] : memref<8192x768xf32, #tpu.memory_space<hbm>> -> memref<8192x768xf32, #tpu.memory_space<hbm>>
      tpu.enqueue_indirect_dma source(%arg7 : memref<128x768xf32, #tpu.memory_space<vmem>>) target(%dma_start3A_22 : memref<8192x768xf32, #tpu.memory_space<hbm>>) offsets(%arg6 : memref<128xi32, #tpu.memory_space<vmem>>) semaphore(%arg8 : memref<!tpu.dma_semaphore, #tpu.memory_space<semaphore_mem>>)
      %dma_wait3A = arith.constant 0 : i32
      %dma_wait3A_23 = arith.constant 0 : i32
      %dma_wait3A_24 = tpu.memref_slice %arg5[%dma_wait3A, %dma_wait3A_23] : memref<8192x768xf32, #tpu.memory_space<hbm>> -> memref<8192x768xf32, #tpu.memory_space<hbm>>
      tpu.wait_indirect_dma semaphore(%arg8 : memref<!tpu.dma_semaphore, #tpu.memory_space<semaphore_mem>>) src(%arg7 : memref<128x768xf32, #tpu.memory_space<vmem>>) dst(%dma_wait3A_24 : memref<8192x768xf32, #tpu.memory_space<hbm>>)
      %mul3A_25 = arith.constant 256 : i32
      %mul3A_26 = arith.muli %add3A, %mul3A_25 : i32
      %add3A_27 = arith.constant 128 : i32
      %add3A_28 = arith.addi %mul3A_26, %add3A_27 : i32
      %sub3A_29 = arith.constant 16 : i32
      %sub3A_30 = arith.subi %add3A, %sub3A_29 : i32
      %mul3A_31 = arith.constant 256 : i32
      %mul3A_32 = arith.muli %sub3A_30, %mul3A_31 : i32
      %add3A_33 = arith.constant 128 : i32
      %add3A_34 = arith.addi %mul3A_32, %add3A_33 : i32
      "tpu.region"() ({
        %run_scoped3A = tpu.sem_alloc : memref<!tpu.dma_semaphore, #tpu.memory_space<semaphore_mem>>
        %dma_start3A_41 = tpu.memref_slice %arg4[%add3A_28] : memref<8192xi32, #tpu.memory_space<hbm>> -> memref<128xi32, #tpu.memory_space<hbm>>
        %dma_start3A_42 = tpu.memref_slice %arg4[%add3A_28] : memref<8192xi32, #tpu.memory_space<hbm>> -> memref<128xi32, #tpu.memory_space<hbm>>
        tpu.enqueue_dma source(%dma_start3A_42 : memref<128xi32, #tpu.memory_space<hbm>>) target(%arg6 : memref<128xi32, #tpu.memory_space<vmem>>) target_semaphore(%run_scoped3A : memref<!tpu.dma_semaphore, #tpu.memory_space<semaphore_mem>>)
        %dma_wait3A_43 = tpu.memref_slice %arg4[%add3A_28] : memref<8192xi32, #tpu.memory_space<hbm>> -> memref<128xi32, #tpu.memory_space<hbm>>
        %dma_wait3A_44 = tpu.memref_slice %arg4[%add3A_28] : memref<8192xi32, #tpu.memory_space<hbm>> -> memref<128xi32, #tpu.memory_space<hbm>>
        tpu.wait_dma2 semaphore(%run_scoped3A : memref<!tpu.dma_semaphore, #tpu.memory_space<semaphore_mem>>) src(%dma_wait3A_44 : memref<128xi32, #tpu.memory_space<hbm>>) dst(%arg6 : memref<128xi32, #tpu.memory_space<vmem>>)
        tpu.yield
      }) : () -> ()
      "tpu.region"() ({
        %run_scoped3A = tpu.sem_alloc : memref<!tpu.dma_semaphore, #tpu.memory_space<semaphore_mem>>
        %dma_start3A_41 = arith.constant 0 : i32
        %dma_start3A_42 = tpu.memref_slice %arg3[%add3A_34, %dma_start3A_41] : memref<4096x768xf32, #tpu.memory_space<hbm>> -> memref<128x768xf32, #tpu.memory_space<hbm>>
        %dma_start3A_43 = arith.constant 0 : i32
        %dma_start3A_44 = tpu.memref_slice %arg3[%add3A_34, %dma_start3A_43] : memref<4096x768xf32, #tpu.memory_space<hbm>> -> memref<128x768xf32, #tpu.memory_space<hbm>>
        tpu.enqueue_dma source(%dma_start3A_44 : memref<128x768xf32, #tpu.memory_space<hbm>>) target(%arg7 : memref<128x768xf32, #tpu.memory_space<vmem>>) target_semaphore(%run_scoped3A : memref<!tpu.dma_semaphore, #tpu.memory_space<semaphore_mem>>)
        %dma_wait3A_45 = arith.constant 0 : i32
        %dma_wait3A_46 = tpu.memref_slice %arg3[%add3A_34, %dma_wait3A_45] : memref<4096x768xf32, #tpu.memory_space<hbm>> -> memref<128x768xf32, #tpu.memory_space<hbm>>
        %dma_wait3A_47 = arith.constant 0 : i32
        %dma_wait3A_48 = tpu.memref_slice %arg3[%add3A_34, %dma_wait3A_47] : memref<4096x768xf32, #tpu.memory_space<hbm>> -> memref<128x768xf32, #tpu.memory_space<hbm>>
        tpu.wait_dma2 semaphore(%run_scoped3A : memref<!tpu.dma_semaphore, #tpu.memory_space<semaphore_mem>>) src(%dma_wait3A_48 : memref<128x768xf32, #tpu.memory_space<hbm>>) dst(%arg7 : memref<128x768xf32, #tpu.memory_space<vmem>>)
        tpu.yield
      }) : () -> ()
      %dma_start3A_35 = arith.constant 0 : i32
      %dma_start3A_36 = arith.constant 0 : i32
      %dma_start3A_37 = tpu.memref_slice %arg5[%dma_start3A_35, %dma_start3A_36] : memref<8192x768xf32, #tpu.memory_space<hbm>> -> memref<8192x768xf32, #tpu.memory_space<hbm>>
      tpu.enqueue_indirect_dma source(%arg7 : memref<128x768xf32, #tpu.memory_space<vmem>>) target(%dma_start3A_37 : memref<8192x768xf32, #tpu.memory_space<hbm>>) offsets(%arg6 : memref<128xi32, #tpu.memory_space<vmem>>) semaphore(%arg8 : memref<!tpu.dma_semaphore, #tpu.memory_space<semaphore_mem>>)
      %dma_wait3A_38 = arith.constant 0 : i32
      %dma_wait3A_39 = arith.constant 0 : i32
      %dma_wait3A_40 = tpu.memref_slice %arg5[%dma_wait3A_38, %dma_wait3A_39] : memref<8192x768xf32, #tpu.memory_space<hbm>> -> memref<8192x768xf32, #tpu.memory_space<hbm>>
      tpu.wait_indirect_dma semaphore(%arg8 : memref<!tpu.dma_semaphore, #tpu.memory_space<semaphore_mem>>) src(%arg7 : memref<128x768xf32, #tpu.memory_space<vmem>>) dst(%dma_wait3A_40 : memref<8192x768xf32, #tpu.memory_space<hbm>>)
    } else {
    }
    return
  }
}

module attributes {stable_mosaic.version = 14 : i64} {
  func.func @_gmm_body(%arg0: i32, %arg1: memref<8xi32, #tpu.memory_space<smem>>, %arg2: memref<512x768xf32, #tpu.memory_space<vmem>>, %arg3: memref<8x768x768xf32, #tpu.memory_space<vmem>>, %arg4: memref<8x1x768xf32, #tpu.memory_space<vmem>>, %arg5: memref<512x768xf32, #tpu.memory_space<vmem>>) attributes {dimension_semantics = [#tpu.dimension_semantics<arbitrary>], iteration_bounds = array<i64: 8>, scalar_prefetch = 1 : i64, scratch_operands = 0 : i64, tpu.core_type = #tpu.core_type<tc>, window_params = [{transform_indices = @transform_0, window_bounds = array<i64: 512, 768>}, {pipeline_mode = #tpu.pipeline_mode<synchronous>, transform_indices = @transform_1, window_bounds = array<i64: 8, 768, 768>}, {pipeline_mode = #tpu.pipeline_mode<synchronous>, transform_indices = @transform_2, window_bounds = array<i64: 8, 1, 768>}, {transform_indices = @transform_3, window_bounds = array<i64: 512, 768>}]} {
    %mul3A = arith.constant 512 : i32
    %mul3A_0 = arith.muli %arg0, %mul3A : i32
    %add3A = arith.constant 4096 : i32
    %add3A_1 = arith.addi %add3A, %mul3A_0 : i32
    %iota3A = tpu.iota {dimensions = array<i32: 0>} : vector<512x1xi32>
    %add3A_2 = vector.broadcast %add3A_1 : i32 to vector<512x1xi32>
    %add3A_3 = arith.addi %add3A_2, %iota3A : vector<512x1xi32>
    %broadcast_in_dim3A = arith.constant 0 : i32
    %broadcast_in_dim3A_4 = vector.broadcast %broadcast_in_dim3A : i32 to vector<512x1xi32>
    %get3A = arith.constant 0 : index
    %get3A_5 = memref.load %arg1[%get3A] : memref<8xi32, #tpu.memory_space<smem>>
    %ge3A = vector.broadcast %get3A_5 : i32 to vector<512x1xi32>
    %ge3A_6 = arith.cmpi sge, %add3A_3, %ge3A : vector<512x1xi32>
    %convert_element_type3A = arith.extui %ge3A_6 : vector<512x1xi1> to vector<512x1xi32>
    %add3A_7 = arith.addi %broadcast_in_dim3A_4, %convert_element_type3A : vector<512x1xi32>
    %ge3A_8 = arith.cmpi sge, %add3A_1, %get3A_5 : i32
    %convert_element_type3A_9 = arith.extui %ge3A_8 : i1 to i32
    %add3A_10 = arith.constant 0 : i32
    %add3A_11 = arith.addi %add3A_10, %convert_element_type3A_9 : i32
    %add3A_12 = arith.constant 512 : i32
    %add3A_13 = arith.addi %add3A_1, %add3A_12 : i32
    %sub3A = arith.constant 1 : i32
    %sub3A_14 = arith.subi %add3A_13, %sub3A : i32
    %ge3A_15 = arith.cmpi sge, %sub3A_14, %get3A_5 : i32
    %convert_element_type3A_16 = arith.extui %ge3A_15 : i1 to i32
    %add3A_17 = arith.constant 0 : i32
    %add3A_18 = arith.addi %add3A_17, %convert_element_type3A_16 : i32
    %get3A_19 = arith.constant 1 : index
    %get3A_20 = memref.load %arg1[%get3A_19] : memref<8xi32, #tpu.memory_space<smem>>
    %ge3A_21 = vector.broadcast %get3A_20 : i32 to vector<512x1xi32>
    %ge3A_22 = arith.cmpi sge, %add3A_3, %ge3A_21 : vector<512x1xi32>
    %convert_element_type3A_23 = arith.extui %ge3A_22 : vector<512x1xi1> to vector<512x1xi32>
    %add3A_24 = arith.addi %add3A_7, %convert_element_type3A_23 : vector<512x1xi32>
    %ge3A_25 = arith.cmpi sge, %add3A_1, %get3A_20 : i32
    %convert_element_type3A_26 = arith.extui %ge3A_25 : i1 to i32
    %add3A_27 = arith.addi %add3A_11, %convert_element_type3A_26 : i32
    %add3A_28 = arith.constant 512 : i32
    %add3A_29 = arith.addi %add3A_1, %add3A_28 : i32
    %sub3A_30 = arith.constant 1 : i32
    %sub3A_31 = arith.subi %add3A_29, %sub3A_30 : i32
    %ge3A_32 = arith.cmpi sge, %sub3A_31, %get3A_20 : i32
    %convert_element_type3A_33 = arith.extui %ge3A_32 : i1 to i32
    %add3A_34 = arith.addi %add3A_18, %convert_element_type3A_33 : i32
    %get3A_35 = arith.constant 2 : index
    %get3A_36 = memref.load %arg1[%get3A_35] : memref<8xi32, #tpu.memory_space<smem>>
    %ge3A_37 = vector.broadcast %get3A_36 : i32 to vector<512x1xi32>
    %ge3A_38 = arith.cmpi sge, %add3A_3, %ge3A_37 : vector<512x1xi32>
    %convert_element_type3A_39 = arith.extui %ge3A_38 : vector<512x1xi1> to vector<512x1xi32>
    %add3A_40 = arith.addi %add3A_24, %convert_element_type3A_39 : vector<512x1xi32>
    %ge3A_41 = arith.cmpi sge, %add3A_1, %get3A_36 : i32
    %convert_element_type3A_42 = arith.extui %ge3A_41 : i1 to i32
    %add3A_43 = arith.addi %add3A_27, %convert_element_type3A_42 : i32
    %add3A_44 = arith.constant 512 : i32
    %add3A_45 = arith.addi %add3A_1, %add3A_44 : i32
    %sub3A_46 = arith.constant 1 : i32
    %sub3A_47 = arith.subi %add3A_45, %sub3A_46 : i32
    %ge3A_48 = arith.cmpi sge, %sub3A_47, %get3A_36 : i32
    %convert_element_type3A_49 = arith.extui %ge3A_48 : i1 to i32
    %add3A_50 = arith.addi %add3A_34, %convert_element_type3A_49 : i32
    %get3A_51 = arith.constant 3 : index
    %get3A_52 = memref.load %arg1[%get3A_51] : memref<8xi32, #tpu.memory_space<smem>>
    %ge3A_53 = vector.broadcast %get3A_52 : i32 to vector<512x1xi32>
    %ge3A_54 = arith.cmpi sge, %add3A_3, %ge3A_53 : vector<512x1xi32>
    %convert_element_type3A_55 = arith.extui %ge3A_54 : vector<512x1xi1> to vector<512x1xi32>
    %add3A_56 = arith.addi %add3A_40, %convert_element_type3A_55 : vector<512x1xi32>
    %ge3A_57 = arith.cmpi sge, %add3A_1, %get3A_52 : i32
    %convert_element_type3A_58 = arith.extui %ge3A_57 : i1 to i32
    %add3A_59 = arith.addi %add3A_43, %convert_element_type3A_58 : i32
    %add3A_60 = arith.constant 512 : i32
    %add3A_61 = arith.addi %add3A_1, %add3A_60 : i32
    %sub3A_62 = arith.constant 1 : i32
    %sub3A_63 = arith.subi %add3A_61, %sub3A_62 : i32
    %ge3A_64 = arith.cmpi sge, %sub3A_63, %get3A_52 : i32
    %convert_element_type3A_65 = arith.extui %ge3A_64 : i1 to i32
    %add3A_66 = arith.addi %add3A_50, %convert_element_type3A_65 : i32
    %get3A_67 = arith.constant 4 : index
    %get3A_68 = memref.load %arg1[%get3A_67] : memref<8xi32, #tpu.memory_space<smem>>
    %ge3A_69 = vector.broadcast %get3A_68 : i32 to vector<512x1xi32>
    %ge3A_70 = arith.cmpi sge, %add3A_3, %ge3A_69 : vector<512x1xi32>
    %convert_element_type3A_71 = arith.extui %ge3A_70 : vector<512x1xi1> to vector<512x1xi32>
    %add3A_72 = arith.addi %add3A_56, %convert_element_type3A_71 : vector<512x1xi32>
    %ge3A_73 = arith.cmpi sge, %add3A_1, %get3A_68 : i32
    %convert_element_type3A_74 = arith.extui %ge3A_73 : i1 to i32
    %add3A_75 = arith.addi %add3A_59, %convert_element_type3A_74 : i32
    %add3A_76 = arith.constant 512 : i32
    %add3A_77 = arith.addi %add3A_1, %add3A_76 : i32
    %sub3A_78 = arith.constant 1 : i32
    %sub3A_79 = arith.subi %add3A_77, %sub3A_78 : i32
    %ge3A_80 = arith.cmpi sge, %sub3A_79, %get3A_68 : i32
    %convert_element_type3A_81 = arith.extui %ge3A_80 : i1 to i32
    %add3A_82 = arith.addi %add3A_66, %convert_element_type3A_81 : i32
    %get3A_83 = arith.constant 5 : index
    %get3A_84 = memref.load %arg1[%get3A_83] : memref<8xi32, #tpu.memory_space<smem>>
    %ge3A_85 = vector.broadcast %get3A_84 : i32 to vector<512x1xi32>
    %ge3A_86 = arith.cmpi sge, %add3A_3, %ge3A_85 : vector<512x1xi32>
    %convert_element_type3A_87 = arith.extui %ge3A_86 : vector<512x1xi1> to vector<512x1xi32>
    %add3A_88 = arith.addi %add3A_72, %convert_element_type3A_87 : vector<512x1xi32>
    %ge3A_89 = arith.cmpi sge, %add3A_1, %get3A_84 : i32
    %convert_element_type3A_90 = arith.extui %ge3A_89 : i1 to i32
    %add3A_91 = arith.addi %add3A_75, %convert_element_type3A_90 : i32
    %add3A_92 = arith.constant 512 : i32
    %add3A_93 = arith.addi %add3A_1, %add3A_92 : i32
    %sub3A_94 = arith.constant 1 : i32
    %sub3A_95 = arith.subi %add3A_93, %sub3A_94 : i32
    %ge3A_96 = arith.cmpi sge, %sub3A_95, %get3A_84 : i32
    %convert_element_type3A_97 = arith.extui %ge3A_96 : i1 to i32
    %add3A_98 = arith.addi %add3A_82, %convert_element_type3A_97 : i32
    %get3A_99 = arith.constant 6 : index
    %get3A_100 = memref.load %arg1[%get3A_99] : memref<8xi32, #tpu.memory_space<smem>>
    %ge3A_101 = vector.broadcast %get3A_100 : i32 to vector<512x1xi32>
    %ge3A_102 = arith.cmpi sge, %add3A_3, %ge3A_101 : vector<512x1xi32>
    %convert_element_type3A_103 = arith.extui %ge3A_102 : vector<512x1xi1> to vector<512x1xi32>
    %add3A_104 = arith.addi %add3A_88, %convert_element_type3A_103 : vector<512x1xi32>
    %ge3A_105 = arith.cmpi sge, %add3A_1, %get3A_100 : i32
    %convert_element_type3A_106 = arith.extui %ge3A_105 : i1 to i32
    %add3A_107 = arith.addi %add3A_91, %convert_element_type3A_106 : i32
    %add3A_108 = arith.constant 512 : i32
    %add3A_109 = arith.addi %add3A_1, %add3A_108 : i32
    %sub3A_110 = arith.constant 1 : i32
    %sub3A_111 = arith.subi %add3A_109, %sub3A_110 : i32
    %ge3A_112 = arith.cmpi sge, %sub3A_111, %get3A_100 : i32
    %convert_element_type3A_113 = arith.extui %ge3A_112 : i1 to i32
    %add3A_114 = arith.addi %add3A_98, %convert_element_type3A_113 : i32
    %get3A_115 = arith.constant 0 : index
    %get3A_116 = arith.constant 0 : index
    %get3A_117 = vector.load %arg2[%get3A_115, %get3A_116] : memref<512x768xf32, #tpu.memory_space<vmem>>, vector<512x768xf32>
    %broadcast_in_dim3A_118 = arith.constant 0.000000e+00 : f32
    %broadcast_in_dim3A_119 = vector.broadcast %broadcast_in_dim3A_118 : f32 to vector<512x768xf32>
    %swap3A = arith.constant 0 : index
    %swap3A_120 = arith.constant 0 : index
    %swap3A_121 = vector.load %arg5[%swap3A, %swap3A_120] : memref<512x768xf32, #tpu.memory_space<vmem>>, vector<512x768xf32>
    tpu.vector_store %arg5[%swap3A, %swap3A_120], %broadcast_in_dim3A_119 {strides = array<i32>} : memref<512x768xf32, #tpu.memory_space<vmem>>, vector<512x768xf32>,
    %add3A_122 = arith.constant 1 : i32
    %add3A_123 = arith.addi %add3A_114, %add3A_122 : i32
    %while3A = arith.constant 0 : i32
    %while3A_124 = arith.subi %add3A_123, %add3A_107 : i32
    %while3A_125 = arith.addi %add3A_107, %while3A_124 : i32
    %while3A_126 = arith.constant 1 : i32
    %while3A_127 = arith.divsi %while3A_124, %while3A_126 : i32
    %while3A_128 = arith.muli %while3A_127, %while3A_126 : i32
    %while3A_129 = arith.addi %add3A_107, %while3A_128 : i32
    %while3A_130 = arith.constant 1 : i32
    %while3A_131 = scf.for %while3A_134 = %add3A_107 to %while3A_129 step %while3A_130 iter_args(%while3A_135 = %while3A) -> (i32)  : i32 {
      %get3A_136 = arith.index_cast %while3A_134 : i32 to index
      %get3A_137 = arith.constant 0 : index
      %get3A_138 = arith.constant 0 : index
      %get3A_139 = vector.load %arg3[%get3A_136, %get3A_137, %get3A_138] : memref<8x768x768xf32, #tpu.memory_space<vmem>>, vector<1x768x768xf32>
      %get3A_140 = vector.shape_cast %get3A_139 : vector<1x768x768xf32> to vector<768x768xf32>
      %dot_general3A = arith.constant dense<0.000000e+00> : vector<512x768xf32>
      %dot_general3A_141 = tpu.matmul %get3A_117, %get3A_140, %dot_general3A {dimension_numbers = #tpu.dot_dimension_numbers<[1], [0], [0], [1], [0, 0, 1, 1], [], []>, transpose_lhs_hint = false} : vector<512x768xf32>, vector<768x768xf32>, vector<512x768xf32> -> vector<512x768xf32>
      %get3A_142 = arith.index_cast %while3A_134 : i32 to index
      %get3A_143 = arith.constant 0 : index
      %get3A_144 = arith.constant 0 : index
      %get3A_145 = vector.load %arg4[%get3A_142, %get3A_143, %get3A_144] : memref<8x1x768xf32, #tpu.memory_space<vmem>>, vector<1x1x768xf32>
      %get3A_146 = vector.shape_cast %get3A_145 : vector<1x1x768xf32> to vector<1x768xf32>
      %add3A_147 = vector.broadcast %get3A_146 : vector<1x768xf32> to vector<512x768xf32>
      %add3A_148 = arith.addf %dot_general3A_141, %add3A_147 : vector<512x768xf32>
      %eq3A = vector.broadcast %while3A_134 : i32 to vector<512x1xi32>
      %eq3A_149 = arith.cmpi eq, %add3A_104, %eq3A : vector<512x1xi32>
      %get3A_150 = arith.constant 0 : index
      %get3A_151 = arith.constant 0 : index
      %get3A_152 = vector.load %arg5[%get3A_150, %get3A_151] : memref<512x768xf32, #tpu.memory_space<vmem>>, vector<512x768xf32>
      %broadcast_in_dim3A_153 = vector.shape_cast %eq3A_149 : vector<512x1xi1> to vector<512x1xi1>
      %broadcast_in_dim3A_154 = vector.broadcast %broadcast_in_dim3A_153 : vector<512x1xi1> to vector<512x768xi1>
      %select_n3A = arith.select %broadcast_in_dim3A_154, %add3A_148, %get3A_152 : vector<512x768xi1>, vector<512x768xf32>
      %swap3A_155 = arith.constant 0 : index
      %swap3A_156 = arith.constant 0 : index
      %swap3A_157 = vector.load %arg5[%swap3A_155, %swap3A_156] : memref<512x768xf32, #tpu.memory_space<vmem>>, vector<512x768xf32>
      tpu.vector_store %arg5[%swap3A_155, %swap3A_156], %select_n3A {strides = array<i32>} : memref<512x768xf32, #tpu.memory_space<vmem>>, vector<512x768xf32>,
      %while3A_158 = arith.constant 0 : i32
      scf.yield %while3A_158 : i32
    }
    %while3A_132 = arith.constant 1 : i32
    %while3A_133 = scf.for %while3A_134 = %while3A_129 to %while3A_125 step %while3A_132 iter_args(%while3A_135 = %while3A_131) -> (i32)  : i32 {
      %get3A_136 = arith.index_cast %while3A_134 : i32 to index
      %get3A_137 = arith.constant 0 : index
      %get3A_138 = arith.constant 0 : index
      %get3A_139 = vector.load %arg3[%get3A_136, %get3A_137, %get3A_138] : memref<8x768x768xf32, #tpu.memory_space<vmem>>, vector<1x768x768xf32>
      %get3A_140 = vector.shape_cast %get3A_139 : vector<1x768x768xf32> to vector<768x768xf32>
      %dot_general3A = arith.constant dense<0.000000e+00> : vector<512x768xf32>
      %dot_general3A_141 = tpu.matmul %get3A_117, %get3A_140, %dot_general3A {dimension_numbers = #tpu.dot_dimension_numbers<[1], [0], [0], [1], [0, 0, 1, 1], [], []>, transpose_lhs_hint = false} : vector<512x768xf32>, vector<768x768xf32>, vector<512x768xf32> -> vector<512x768xf32>
      %get3A_142 = arith.index_cast %while3A_134 : i32 to index
      %get3A_143 = arith.constant 0 : index
      %get3A_144 = arith.constant 0 : index
      %get3A_145 = vector.load %arg4[%get3A_142, %get3A_143, %get3A_144] : memref<8x1x768xf32, #tpu.memory_space<vmem>>, vector<1x1x768xf32>
      %get3A_146 = vector.shape_cast %get3A_145 : vector<1x1x768xf32> to vector<1x768xf32>
      %add3A_147 = vector.broadcast %get3A_146 : vector<1x768xf32> to vector<512x768xf32>
      %add3A_148 = arith.addf %dot_general3A_141, %add3A_147 : vector<512x768xf32>
      %eq3A = vector.broadcast %while3A_134 : i32 to vector<512x1xi32>
      %eq3A_149 = arith.cmpi eq, %add3A_104, %eq3A : vector<512x1xi32>
      %get3A_150 = arith.constant 0 : index
      %get3A_151 = arith.constant 0 : index
      %get3A_152 = vector.load %arg5[%get3A_150, %get3A_151] : memref<512x768xf32, #tpu.memory_space<vmem>>, vector<512x768xf32>
      %broadcast_in_dim3A_153 = vector.shape_cast %eq3A_149 : vector<512x1xi1> to vector<512x1xi1>
      %broadcast_in_dim3A_154 = vector.broadcast %broadcast_in_dim3A_153 : vector<512x1xi1> to vector<512x768xi1>
      %select_n3A = arith.select %broadcast_in_dim3A_154, %add3A_148, %get3A_152 : vector<512x768xi1>, vector<512x768xf32>
      %swap3A_155 = arith.constant 0 : index
      %swap3A_156 = arith.constant 0 : index
      %swap3A_157 = vector.load %arg5[%swap3A_155, %swap3A_156] : memref<512x768xf32, #tpu.memory_space<vmem>>, vector<512x768xf32>
      tpu.vector_store %arg5[%swap3A_155, %swap3A_156], %select_n3A {strides = array<i32>} : memref<512x768xf32, #tpu.memory_space<vmem>>, vector<512x768xf32>,
      %while3A_158 = arith.constant 0 : i32
      scf.yield %while3A_158 : i32
    }
    return
  }
  func.func @transform_0(%arg0: i32, %arg1: memref<8xi32, #tpu.memory_space<smem>>) -> (i32, i32) {
    %c0_i32 = arith.constant 0 : i32
    %c0_i32_0 = arith.constant 0 : i32
    return %arg0, %c0_i32 : i32, i32
  }
  func.func @transform_1(%arg0: i32, %arg1: memref<8xi32, #tpu.memory_space<smem>>) -> (i32, i32, i32) {
    %c0_i32 = arith.constant 0 : i32
    %c0_i32_0 = arith.constant 0 : i32
    %c0_i32_1 = arith.constant 0 : i32
    %c0_i32_2 = arith.constant 0 : i32
    return %c0_i32, %c0_i32_0, %c0_i32_1 : i32, i32, i32
  }
  func.func @transform_2(%arg0: i32, %arg1: memref<8xi32, #tpu.memory_space<smem>>) -> (i32, i32, i32) {
    %c0_i32 = arith.constant 0 : i32
    %c0_i32_0 = arith.constant 0 : i32
    %c0_i32_1 = arith.constant 0 : i32
    %c0_i32_2 = arith.constant 0 : i32
    return %c0_i32, %c0_i32_0, %c0_i32_1 : i32, i32, i32
  }
  func.func @transform_3(%arg0: i32, %arg1: memref<8xi32, #tpu.memory_space<smem>>) -> (i32, i32) {
    %c0_i32 = arith.constant 0 : i32
    %c0_i32_0 = arith.constant 0 : i32
    return %arg0, %c0_i32 : i32, i32
  }
}

module attributes {stable_mosaic.version = 14 : i64} {
  func.func @_gmm_body(%arg0: i32, %arg1: memref<8xi32, #tpu.memory_space<smem>>, %arg2: memref<512x768xf32, #tpu.memory_space<vmem>>, %arg3: memref<8x768x768xf32, #tpu.memory_space<vmem>>, %arg4: memref<8x1x768xf32, #tpu.memory_space<vmem>>, %arg5: memref<512x768xf32, #tpu.memory_space<vmem>>) attributes {dimension_semantics = [#tpu.dimension_semantics<arbitrary>], iteration_bounds = array<i64: 8>, scalar_prefetch = 1 : i64, scratch_operands = 0 : i64, tpu.core_type = #tpu.core_type<tc>, window_params = [{transform_indices = @transform_0, window_bounds = array<i64: 512, 768>}, {pipeline_mode = #tpu.pipeline_mode<synchronous>, transform_indices = @transform_1, window_bounds = array<i64: 8, 768, 768>}, {pipeline_mode = #tpu.pipeline_mode<synchronous>, transform_indices = @transform_2, window_bounds = array<i64: 8, 1, 768>}, {transform_indices = @transform_3, window_bounds = array<i64: 512, 768>}]} {
    %mul3A = arith.constant 512 : i32
    %mul3A_0 = arith.muli %arg0, %mul3A : i32
    %add3A = arith.constant 0 : i32
    %add3A_1 = arith.addi %add3A, %mul3A_0 : i32
    %iota3A = tpu.iota {dimensions = array<i32: 0>} : vector<512x1xi32>
    %add3A_2 = vector.broadcast %add3A_1 : i32 to vector<512x1xi32>
    %add3A_3 = arith.addi %add3A_2, %iota3A : vector<512x1xi32>
    %broadcast_in_dim3A = arith.constant 0 : i32
    %broadcast_in_dim3A_4 = vector.broadcast %broadcast_in_dim3A : i32 to vector<512x1xi32>
    %get3A = arith.constant 0 : index
    %get3A_5 = memref.load %arg1[%get3A] : memref<8xi32, #tpu.memory_space<smem>>
    %ge3A = vector.broadcast %get3A_5 : i32 to vector<512x1xi32>
    %ge3A_6 = arith.cmpi sge, %add3A_3, %ge3A : vector<512x1xi32>
    %convert_element_type3A = arith.extui %ge3A_6 : vector<512x1xi1> to vector<512x1xi32>
    %add3A_7 = arith.addi %broadcast_in_dim3A_4, %convert_element_type3A : vector<512x1xi32>
    %ge3A_8 = arith.cmpi sge, %add3A_1, %get3A_5 : i32
    %convert_element_type3A_9 = arith.extui %ge3A_8 : i1 to i32
    %add3A_10 = arith.constant 0 : i32
    %add3A_11 = arith.addi %add3A_10, %convert_element_type3A_9 : i32
    %add3A_12 = arith.constant 512 : i32
    %add3A_13 = arith.addi %add3A_1, %add3A_12 : i32
    %sub3A = arith.constant 1 : i32
    %sub3A_14 = arith.subi %add3A_13, %sub3A : i32
    %ge3A_15 = arith.cmpi sge, %sub3A_14, %get3A_5 : i32
    %convert_element_type3A_16 = arith.extui %ge3A_15 : i1 to i32
    %add3A_17 = arith.constant 0 : i32
    %add3A_18 = arith.addi %add3A_17, %convert_element_type3A_16 : i32
    %get3A_19 = arith.constant 1 : index
    %get3A_20 = memref.load %arg1[%get3A_19] : memref<8xi32, #tpu.memory_space<smem>>
    %ge3A_21 = vector.broadcast %get3A_20 : i32 to vector<512x1xi32>
    %ge3A_22 = arith.cmpi sge, %add3A_3, %ge3A_21 : vector<512x1xi32>
    %convert_element_type3A_23 = arith.extui %ge3A_22 : vector<512x1xi1> to vector<512x1xi32>
    %add3A_24 = arith.addi %add3A_7, %convert_element_type3A_23 : vector<512x1xi32>
    %ge3A_25 = arith.cmpi sge, %add3A_1, %get3A_20 : i32
    %convert_element_type3A_26 = arith.extui %ge3A_25 : i1 to i32
    %add3A_27 = arith.addi %add3A_11, %convert_element_type3A_26 : i32
    %add3A_28 = arith.constant 512 : i32
    %add3A_29 = arith.addi %add3A_1, %add3A_28 : i32
    %sub3A_30 = arith.constant 1 : i32
    %sub3A_31 = arith.subi %add3A_29, %sub3A_30 : i32
    %ge3A_32 = arith.cmpi sge, %sub3A_31, %get3A_20 : i32
    %convert_element_type3A_33 = arith.extui %ge3A_32 : i1 to i32
    %add3A_34 = arith.addi %add3A_18, %convert_element_type3A_33 : i32
    %get3A_35 = arith.constant 2 : index
    %get3A_36 = memref.load %arg1[%get3A_35] : memref<8xi32, #tpu.memory_space<smem>>
    %ge3A_37 = vector.broadcast %get3A_36 : i32 to vector<512x1xi32>
    %ge3A_38 = arith.cmpi sge, %add3A_3, %ge3A_37 : vector<512x1xi32>
    %convert_element_type3A_39 = arith.extui %ge3A_38 : vector<512x1xi1> to vector<512x1xi32>
    %add3A_40 = arith.addi %add3A_24, %convert_element_type3A_39 : vector<512x1xi32>
    %ge3A_41 = arith.cmpi sge, %add3A_1, %get3A_36 : i32
    %convert_element_type3A_42 = arith.extui %ge3A_41 : i1 to i32
    %add3A_43 = arith.addi %add3A_27, %convert_element_type3A_42 : i32
    %add3A_44 = arith.constant 512 : i32
    %add3A_45 = arith.addi %add3A_1, %add3A_44 : i32
    %sub3A_46 = arith.constant 1 : i32
    %sub3A_47 = arith.subi %add3A_45, %sub3A_46 : i32
    %ge3A_48 = arith.cmpi sge, %sub3A_47, %get3A_36 : i32
    %convert_element_type3A_49 = arith.extui %ge3A_48 : i1 to i32
    %add3A_50 = arith.addi %add3A_34, %convert_element_type3A_49 : i32
    %get3A_51 = arith.constant 3 : index
    %get3A_52 = memref.load %arg1[%get3A_51] : memref<8xi32, #tpu.memory_space<smem>>
    %ge3A_53 = vector.broadcast %get3A_52 : i32 to vector<512x1xi32>
    %ge3A_54 = arith.cmpi sge, %add3A_3, %ge3A_53 : vector<512x1xi32>
    %convert_element_type3A_55 = arith.extui %ge3A_54 : vector<512x1xi1> to vector<512x1xi32>
    %add3A_56 = arith.addi %add3A_40, %convert_element_type3A_55 : vector<512x1xi32>
    %ge3A_57 = arith.cmpi sge, %add3A_1, %get3A_52 : i32
    %convert_element_type3A_58 = arith.extui %ge3A_57 : i1 to i32
    %add3A_59 = arith.addi %add3A_43, %convert_element_type3A_58 : i32
    %add3A_60 = arith.constant 512 : i32
    %add3A_61 = arith.addi %add3A_1, %add3A_60 : i32
    %sub3A_62 = arith.constant 1 : i32
    %sub3A_63 = arith.subi %add3A_61, %sub3A_62 : i32
    %ge3A_64 = arith.cmpi sge, %sub3A_63, %get3A_52 : i32
    %convert_element_type3A_65 = arith.extui %ge3A_64 : i1 to i32
    %add3A_66 = arith.addi %add3A_50, %convert_element_type3A_65 : i32
    %get3A_67 = arith.constant 4 : index
    %get3A_68 = memref.load %arg1[%get3A_67] : memref<8xi32, #tpu.memory_space<smem>>
    %ge3A_69 = vector.broadcast %get3A_68 : i32 to vector<512x1xi32>
    %ge3A_70 = arith.cmpi sge, %add3A_3, %ge3A_69 : vector<512x1xi32>
    %convert_element_type3A_71 = arith.extui %ge3A_70 : vector<512x1xi1> to vector<512x1xi32>
    %add3A_72 = arith.addi %add3A_56, %convert_element_type3A_71 : vector<512x1xi32>
    %ge3A_73 = arith.cmpi sge, %add3A_1, %get3A_68 : i32
    %convert_element_type3A_74 = arith.extui %ge3A_73 : i1 to i32
    %add3A_75 = arith.addi %add3A_59, %convert_element_type3A_74 : i32
    %add3A_76 = arith.constant 512 : i32
    %add3A_77 = arith.addi %add3A_1, %add3A_76 : i32
    %sub3A_78 = arith.constant 1 : i32
    %sub3A_79 = arith.subi %add3A_77, %sub3A_78 : i32
    %ge3A_80 = arith.cmpi sge, %sub3A_79, %get3A_68 : i32
    %convert_element_type3A_81 = arith.extui %ge3A_80 : i1 to i32
    %add3A_82 = arith.addi %add3A_66, %convert_element_type3A_81 : i32
    %get3A_83 = arith.constant 5 : index
    %get3A_84 = memref.load %arg1[%get3A_83] : memref<8xi32, #tpu.memory_space<smem>>
    %ge3A_85 = vector.broadcast %get3A_84 : i32 to vector<512x1xi32>
    %ge3A_86 = arith.cmpi sge, %add3A_3, %ge3A_85 : vector<512x1xi32>
    %convert_element_type3A_87 = arith.extui %ge3A_86 : vector<512x1xi1> to vector<512x1xi32>
    %add3A_88 = arith.addi %add3A_72, %convert_element_type3A_87 : vector<512x1xi32>
    %ge3A_89 = arith.cmpi sge, %add3A_1, %get3A_84 : i32
    %convert_element_type3A_90 = arith.extui %ge3A_89 : i1 to i32
    %add3A_91 = arith.addi %add3A_75, %convert_element_type3A_90 : i32
    %add3A_92 = arith.constant 512 : i32
    %add3A_93 = arith.addi %add3A_1, %add3A_92 : i32
    %sub3A_94 = arith.constant 1 : i32
    %sub3A_95 = arith.subi %add3A_93, %sub3A_94 : i32
    %ge3A_96 = arith.cmpi sge, %sub3A_95, %get3A_84 : i32
    %convert_element_type3A_97 = arith.extui %ge3A_96 : i1 to i32
    %add3A_98 = arith.addi %add3A_82, %convert_element_type3A_97 : i32
    %get3A_99 = arith.constant 6 : index
    %get3A_100 = memref.load %arg1[%get3A_99] : memref<8xi32, #tpu.memory_space<smem>>
    %ge3A_101 = vector.broadcast %get3A_100 : i32 to vector<512x1xi32>
    %ge3A_102 = arith.cmpi sge, %add3A_3, %ge3A_101 : vector<512x1xi32>
    %convert_element_type3A_103 = arith.extui %ge3A_102 : vector<512x1xi1> to vector<512x1xi32>
    %add3A_104 = arith.addi %add3A_88, %convert_element_type3A_103 : vector<512x1xi32>
    %ge3A_105 = arith.cmpi sge, %add3A_1, %get3A_100 : i32
    %convert_element_type3A_106 = arith.extui %ge3A_105 : i1 to i32
    %add3A_107 = arith.addi %add3A_91, %convert_element_type3A_106 : i32
    %add3A_108 = arith.constant 512 : i32
    %add3A_109 = arith.addi %add3A_1, %add3A_108 : i32
    %sub3A_110 = arith.constant 1 : i32
    %sub3A_111 = arith.subi %add3A_109, %sub3A_110 : i32
    %ge3A_112 = arith.cmpi sge, %sub3A_111, %get3A_100 : i32
    %convert_element_type3A_113 = arith.extui %ge3A_112 : i1 to i32
    %add3A_114 = arith.addi %add3A_98, %convert_element_type3A_113 : i32
    %get3A_115 = arith.constant 0 : index
    %get3A_116 = arith.constant 0 : index
    %get3A_117 = vector.load %arg2[%get3A_115, %get3A_116] : memref<512x768xf32, #tpu.memory_space<vmem>>, vector<512x768xf32>
    %broadcast_in_dim3A_118 = arith.constant 0.000000e+00 : f32
    %broadcast_in_dim3A_119 = vector.broadcast %broadcast_in_dim3A_118 : f32 to vector<512x768xf32>
    %swap3A = arith.constant 0 : index
    %swap3A_120 = arith.constant 0 : index
    %swap3A_121 = vector.load %arg5[%swap3A, %swap3A_120] : memref<512x768xf32, #tpu.memory_space<vmem>>, vector<512x768xf32>
    tpu.vector_store %arg5[%swap3A, %swap3A_120], %broadcast_in_dim3A_119 {strides = array<i32>} : memref<512x768xf32, #tpu.memory_space<vmem>>, vector<512x768xf32>,
    %add3A_122 = arith.constant 1 : i32
    %add3A_123 = arith.addi %add3A_114, %add3A_122 : i32
    %while3A = arith.constant 0 : i32
    %while3A_124 = arith.subi %add3A_123, %add3A_107 : i32
    %while3A_125 = arith.addi %add3A_107, %while3A_124 : i32
    %while3A_126 = arith.constant 1 : i32
    %while3A_127 = arith.divsi %while3A_124, %while3A_126 : i32
    %while3A_128 = arith.muli %while3A_127, %while3A_126 : i32
    %while3A_129 = arith.addi %add3A_107, %while3A_128 : i32
    %while3A_130 = arith.constant 1 : i32
    %while3A_131 = scf.for %while3A_134 = %add3A_107 to %while3A_129 step %while3A_130 iter_args(%while3A_135 = %while3A) -> (i32)  : i32 {
      %get3A_136 = arith.index_cast %while3A_134 : i32 to index
      %get3A_137 = arith.constant 0 : index
      %get3A_138 = arith.constant 0 : index
      %get3A_139 = vector.load %arg3[%get3A_136, %get3A_137, %get3A_138] : memref<8x768x768xf32, #tpu.memory_space<vmem>>, vector<1x768x768xf32>
      %get3A_140 = vector.shape_cast %get3A_139 : vector<1x768x768xf32> to vector<768x768xf32>
      %dot_general3A = arith.constant dense<0.000000e+00> : vector<512x768xf32>
      %dot_general3A_141 = tpu.matmul %get3A_117, %get3A_140, %dot_general3A {dimension_numbers = #tpu.dot_dimension_numbers<[1], [0], [0], [1], [0, 0, 1, 1], [], []>, transpose_lhs_hint = false} : vector<512x768xf32>, vector<768x768xf32>, vector<512x768xf32> -> vector<512x768xf32>
      %get3A_142 = arith.index_cast %while3A_134 : i32 to index
      %get3A_143 = arith.constant 0 : index
      %get3A_144 = arith.constant 0 : index
      %get3A_145 = vector.load %arg4[%get3A_142, %get3A_143, %get3A_144] : memref<8x1x768xf32, #tpu.memory_space<vmem>>, vector<1x1x768xf32>
      %get3A_146 = vector.shape_cast %get3A_145 : vector<1x1x768xf32> to vector<1x768xf32>
      %add3A_147 = vector.broadcast %get3A_146 : vector<1x768xf32> to vector<512x768xf32>
      %add3A_148 = arith.addf %dot_general3A_141, %add3A_147 : vector<512x768xf32>
      %eq3A = vector.broadcast %while3A_134 : i32 to vector<512x1xi32>
      %eq3A_149 = arith.cmpi eq, %add3A_104, %eq3A : vector<512x1xi32>
      %get3A_150 = arith.constant 0 : index
      %get3A_151 = arith.constant 0 : index
      %get3A_152 = vector.load %arg5[%get3A_150, %get3A_151] : memref<512x768xf32, #tpu.memory_space<vmem>>, vector<512x768xf32>
      %broadcast_in_dim3A_153 = vector.shape_cast %eq3A_149 : vector<512x1xi1> to vector<512x1xi1>
      %broadcast_in_dim3A_154 = vector.broadcast %broadcast_in_dim3A_153 : vector<512x1xi1> to vector<512x768xi1>
      %select_n3A = arith.select %broadcast_in_dim3A_154, %add3A_148, %get3A_152 : vector<512x768xi1>, vector<512x768xf32>
      %swap3A_155 = arith.constant 0 : index
      %swap3A_156 = arith.constant 0 : index
      %swap3A_157 = vector.load %arg5[%swap3A_155, %swap3A_156] : memref<512x768xf32, #tpu.memory_space<vmem>>, vector<512x768xf32>
      tpu.vector_store %arg5[%swap3A_155, %swap3A_156], %select_n3A {strides = array<i32>} : memref<512x768xf32, #tpu.memory_space<vmem>>, vector<512x768xf32>,
      %while3A_158 = arith.constant 0 : i32
      scf.yield %while3A_158 : i32
    }
    %while3A_132 = arith.constant 1 : i32
    %while3A_133 = scf.for %while3A_134 = %while3A_129 to %while3A_125 step %while3A_132 iter_args(%while3A_135 = %while3A_131) -> (i32)  : i32 {
      %get3A_136 = arith.index_cast %while3A_134 : i32 to index
      %get3A_137 = arith.constant 0 : index
      %get3A_138 = arith.constant 0 : index
      %get3A_139 = vector.load %arg3[%get3A_136, %get3A_137, %get3A_138] : memref<8x768x768xf32, #tpu.memory_space<vmem>>, vector<1x768x768xf32>
      %get3A_140 = vector.shape_cast %get3A_139 : vector<1x768x768xf32> to vector<768x768xf32>
      %dot_general3A = arith.constant dense<0.000000e+00> : vector<512x768xf32>
      %dot_general3A_141 = tpu.matmul %get3A_117, %get3A_140, %dot_general3A {dimension_numbers = #tpu.dot_dimension_numbers<[1], [0], [0], [1], [0, 0, 1, 1], [], []>, transpose_lhs_hint = false} : vector<512x768xf32>, vector<768x768xf32>, vector<512x768xf32> -> vector<512x768xf32>
      %get3A_142 = arith.index_cast %while3A_134 : i32 to index
      %get3A_143 = arith.constant 0 : index
      %get3A_144 = arith.constant 0 : index
      %get3A_145 = vector.load %arg4[%get3A_142, %get3A_143, %get3A_144] : memref<8x1x768xf32, #tpu.memory_space<vmem>>, vector<1x1x768xf32>
      %get3A_146 = vector.shape_cast %get3A_145 : vector<1x1x768xf32> to vector<1x768xf32>
      %add3A_147 = vector.broadcast %get3A_146 : vector<1x768xf32> to vector<512x768xf32>
      %add3A_148 = arith.addf %dot_general3A_141, %add3A_147 : vector<512x768xf32>
      %eq3A = vector.broadcast %while3A_134 : i32 to vector<512x1xi32>
      %eq3A_149 = arith.cmpi eq, %add3A_104, %eq3A : vector<512x1xi32>
      %get3A_150 = arith.constant 0 : index
      %get3A_151 = arith.constant 0 : index
      %get3A_152 = vector.load %arg5[%get3A_150, %get3A_151] : memref<512x768xf32, #tpu.memory_space<vmem>>, vector<512x768xf32>
      %broadcast_in_dim3A_153 = vector.shape_cast %eq3A_149 : vector<512x1xi1> to vector<512x1xi1>
      %broadcast_in_dim3A_154 = vector.broadcast %broadcast_in_dim3A_153 : vector<512x1xi1> to vector<512x768xi1>
      %select_n3A = arith.select %broadcast_in_dim3A_154, %add3A_148, %get3A_152 : vector<512x768xi1>, vector<512x768xf32>
      %swap3A_155 = arith.constant 0 : index
      %swap3A_156 = arith.constant 0 : index
      %swap3A_157 = vector.load %arg5[%swap3A_155, %swap3A_156] : memref<512x768xf32, #tpu.memory_space<vmem>>, vector<512x768xf32>
      tpu.vector_store %arg5[%swap3A_155, %swap3A_156], %select_n3A {strides = array<i32>} : memref<512x768xf32, #tpu.memory_space<vmem>>, vector<512x768xf32>,
      %while3A_158 = arith.constant 0 : i32
      scf.yield %while3A_158 : i32
    }
    return
  }
  func.func @transform_0(%arg0: i32, %arg1: memref<8xi32, #tpu.memory_space<smem>>) -> (i32, i32) {
    %c0_i32 = arith.constant 0 : i32
    %c0_i32_0 = arith.constant 0 : i32
    return %arg0, %c0_i32 : i32, i32
  }
  func.func @transform_1(%arg0: i32, %arg1: memref<8xi32, #tpu.memory_space<smem>>) -> (i32, i32, i32) {
    %c0_i32 = arith.constant 0 : i32
    %c0_i32_0 = arith.constant 0 : i32
    %c0_i32_1 = arith.constant 0 : i32
    %c0_i32_2 = arith.constant 0 : i32
    return %c0_i32, %c0_i32_0, %c0_i32_1 : i32, i32, i32
  }
  func.func @transform_2(%arg0: i32, %arg1: memref<8xi32, #tpu.memory_space<smem>>) -> (i32, i32, i32) {
    %c0_i32 = arith.constant 0 : i32
    %c0_i32_0 = arith.constant 0 : i32
    %c0_i32_1 = arith.constant 0 : i32
    %c0_i32_2 = arith.constant 0 : i32
    return %c0_i32, %c0_i32_0, %c0_i32_1 : i32, i32, i32
  }
  func.func @transform_3(%arg0: i32, %arg1: memref<8xi32, #tpu.memory_space<smem>>) -> (i32, i32) {
    %c0_i32 = arith.constant 0 : i32
    %c0_i32_0 = arith.constant 0 : i32
    return %arg0, %c0_i32 : i32, i32
  }
}

</mosaic_0001>

<sc_bundles>
// kernel: kernel.10.cloned.1.call-start
scs
__scs_entry_jumppad:
0x0: {  	(pc) =	sbr.rel $0x88, $3  }
0x1: {  	(tag) =	ssettag $0x0;
	lr =	simm.s32 $0x1  }
0x2: {  	[smem:$0x3F9D] =	sst lr;
	_ =	strace $0xD0000000  }
0x3: {  	_ = 	snop  }
0x4: {  	_ = 	snop  }
0x5: {  	_ = 	snop  }
0x6: {  	_ = 	snop  }
0x7: {  	_ = 	snop  }
__scs_overlays_trampoline_lowered:
0x8: {  	[smem:$0x3FAC] =	sst s0  }
0x9: {  	[smem:$0x3FAD] =	sst s1  }
0xa: {  	[smem:$0x3FAE] =	sst s2  }
0xb: {  	[smem:$0x3FAF] =	sst s3  }
0xc: {  	[smem:$0x3FB0] =	sst s4  }
0xd: {  	[smem:$0x3FB1] =	sst s5  }
0xe: {  	[smem:$0x3FB2] =	sst s6  }
0xf: {  	[smem:$0x3FB3] =	sst s7  }
0x10: {  	[smem:$0x3FB4] =	sst s8  }
0x11: {  	[smem:$0x3FB5] =	sst s9;
	s0 =	simm.s32 @!p0 $0x0  }
0x12: {  	s1 =	sld [smem:$0x3F9B];
	s0 =	simm.s32 @p0 $0x1  }
0x13: {  	[smem:$0x3FB6] =	sst s0;
	s0 =	simm.s32 @!p1 $0x0  }
0x14: {  	s2 =	sld [smem:$0x3F9A];
	s0 =	simm.s32 @p1 $0x1  }
0x15: {  	[smem:$0x3FB7] =	sst s0;
	s0 =	simm.s32 @!p2 $0x0  }
0x16: {  	s3 =	sld [smem:$0x3FDB];
	s0 =	simm.s32 @p2 $0x1  }
0x17: {  	s4 =	simm.s32 $0x1BF5;
	[smem:$0x3FB9] =	sst s0  }
0x18: {  	s0 =	sld [smem:$0x3F9C];
	_ =	swait.ge [sflag:s4], $0x0  }
0x19: {  	s7 =	sld [smem:$0x3F9D]  }
0x1a: {  	s8 =	sadd.s32 $0xFFFFE003, lr  }
0x1b: {  	s9 =	sadd.s32 $0xFFFFFEF7, lr;
	s5 =	simm.s32 $0xFFFFFFFF;
	p2 =	slt.u32 s8, $0xFFFFF086  }
0x1c: {  	p1 =	slt.u32 s9, $0xF7A;
	s5 =	simm.s32 @!p2 $0x0  }
0x1d: {  	s5 =	simm.s32 @p1 $0x1;
	p0 =	seq.s32 s7, s2  }
0x1e: {  	s7 =	smul.u32 @!p0 $0xF7A, s2;
	p2 =	seq.s32 @!p0 s5, $0x0  }
0x1f: {  	s9 =	smul.u32 $0xF7A, s1;
	s8 =	simm.s32 @!p0 $0x1BF5;
	p2 =	por !p2, p0  }
0x20: {  	[sflag:s8] =	ssyncset.s32 @!p0 $0xFFFFF086;
	s6 =	sadd.s32 @!p0 s3, s7;
	s7 =	simm.s32 @!p0 $0x108  }
0x21: {  	s3 =	sadd.s32 s3, s9;
	s6 =	sadd.s32 @!p0 $0x88, s6;
	s7 =	simm.s32 @p2 $0x1082  }
0x22: {  	[simem:s7], [sflag:s8] =	dma.local @!p0 [hbm:s6], $0xF7A  }
0x23: {  	s9 =	sor.u32 $0xD0000000, s2;
	s6 =	simm.s32 $0x108;
	_ =	swait.ge @!p0 [sflag:s8], $0x0  }
0x24: {  	s3 =	sadd.s32 $0x88, s3;
	s6 =	simm.s32 @!p1 $0x1082;
	[sflag:s4] =	ssyncset.s32 $0xFFFFF086  }
0x25: {  	[simem:s6], [sflag:s4] =	dma.local [hbm:s3], $0xF7A  }
0x26: {  	[smem:$0x3F9D] =	sst s1;
	(tag) =	ssettag s2;
	_ =	strace s9  }
0x27: {  	s1 =	sld [smem:$0x3FAD]  }
0x28: {  	s2 =	sld [smem:$0x3FAE]  }
0x29: {  	s4 =	sld [smem:$0x3FB0]  }
0x2a: {  	p0 =	seq.s32 s5, $0x0;
	s5 =	sld [smem:$0x3FB1]  }
0x2b: {  	s6 =	sld [smem:$0x3FB2]  }
0x2c: {  	s7 =	sld [smem:$0x3FB3]  }
0x2d: {  	s3 =	simm.s32 $0x108;
	s8 =	sld [smem:$0x3FB4]  }
0x2e: {  	s3 =	simm.s32 @!p0 $0x1082;
	s9 =	sld [smem:$0x3FB5]  }
0x2f: {  	lr =	sadd.s32 s0, s3;
	s0 =	sld [smem:$0x3FAC]  }
0x30: {  	s3 =	sld [smem:$0x3FAF]  }
0x31: {  	[smem:$0x3FB8] =	sst s10  }
0x32: {  	s10 =	sld [smem:$0x3FB6];
	_ =	sdelay $0x3  }
0x33: {  	p0 =	seq.s32 s10, $0x1;
	s10 =	sld [smem:$0x3FB8];
	_ =	sdelay $0x3  }
0x34: {  	[smem:$0x3FB8] =	sst s10  }
0x35: {  	s10 =	sld [smem:$0x3FB7];
	_ =	sdelay $0x3  }
0x36: {  	p1 =	seq.s32 s10, $0x1;
	s10 =	sld [smem:$0x3FB8];
	_ =	sdelay $0x3  }
0x37: {  	[smem:$0x3FB8] =	sst s10  }
0x38: {  	s10 =	sld [smem:$0x3FB9]  }
0x39: {  	_ = 	snop;
	(pc) =	sbr.ind lr, $3  }
0x3a: {  	_ = 	snop  }
0x3b: {  	_ = 	snop  }
0x3c: {  	p2 =	seq.s32 s10, $0x1;
	s10 =	sld [smem:$0x3FB8]  }
0x3d: {  	_ =	shalt  }
0x3e: {  	_ =	shalt  }
0x3f: {  	_ =	shalt  }
0x40: {  	_ =	shalt  }
0x41: {  	_ =	shalt  }
0x42: {  	_ =	shalt  }
0x43: {  	_ =	shalt  }
0x44: {  	_ =	shalt  }
0x45: {  	_ =	shalt  }
0x46: {  	_ =	shalt  }
0x47: {  	_ =	shalt  }
0x48: {  	_ =	shalt  }
0x49: {  	_ =	shalt  }
0x4a: {  	_ =	shalt  }
0x4b: {  	_ =	shalt  }
0x4c: {  	_ =	shalt  }
0x4d: {  	_ =	shalt  }
0x4e: {  	_ =	shalt  }
0x4f: {  	_ =	shalt  }
0x50: {  	_ =	shalt  }
0x51: {  	_ =	shalt  }
0x52: {  	_ =	shalt  }
0x53: {  	_ =	shalt  }
0x54: {  	_ =	shalt  }
0x55: {  	_ =	shalt  }
0x56: {  	_ =	shalt  }
0x57: {  	_ =	shalt  }
0x58: {  	_ =	shalt  }
0x59: {  	_ =	shalt  }
0x5a: {  	_ =	shalt  }
0x5b: {  	_ =	shalt  }
0x5c: {  	_ =	shalt  }
0x5d: {  	_ =	shalt  }
0x5e: {  	_ =	shalt  }
0x5f: {  	_ =	shalt  }
0x60: {  	_ =	shalt  }
0x61: {  	_ =	shalt  }
0x62: {  	_ =	shalt  }
0x63: {  	_ =	shalt  }
0x64: {  	_ =	shalt  }
0x65: {  	_ =	shalt  }
0x66: {  	_ =	shalt  }
0x67: {  	_ =	shalt  }
0x68: {  	_ =	shalt  }
0x69: {  	_ =	shalt  }
0x6a: {  	_ =	shalt  }
0x6b: {  	_ =	shalt  }
0x6c: {  	_ =	shalt  }
0x6d: {  	_ =	shalt  }
0x6e: {  	_ =	shalt  }
0x6f: {  	_ =	shalt  }
0x70: {  	_ =	shalt  }
0x71: {  	_ =	shalt  }
0x72: {  	_ =	shalt  }
0x73: {  	_ =	shalt  }
0x74: {  	_ =	shalt  }
0x75: {  	_ =	shalt  }
0x76: {  	_ =	shalt  }
0x77: {  	_ =	shalt  }
0x78: {  	_ =	shalt  }
0x79: {  	_ =	shalt  }
0x7a: {  	_ =	shalt  }
0x7b: {  	_ =	shalt  }
0x7c: {  	_ =	shalt  }
0x7d: {  	_ =	shalt  }
0x7e: {  	_ =	shalt  }
0x7f: {  	_ =	shalt  }
0x80: {  	_ =	shalt  }
0x81: {  	_ =	shalt  }
0x82: {  	_ =	shalt  }
0x83: {  	_ =	shalt  }
0x84: {  	_ =	shalt  }
0x85: {  	_ =	shalt  }
0x86: {  	_ =	shalt  }
0x87: {  	_ =	shalt  }
.Lfunc_end0:
.L_simem_size_0:
called_computation.1_lowered:
.L_overlay_start_0:
0x88: {  	s2 =	sld [smem:$0x3FD9]  }
0x89: {  	s3 =	sld [smem:$0x3FFE];
	_ =	sdelay $0x1  }
0x8a: {  	s1 =	srdreg.scid  }
0x8b: {  	s0 =	sand.u32 $0x1, s1  }
0x8c: {  	s17 =	sshll.u32 s0, $0xA;
	s2 =	sadd.s32 s3, s2  }
0x8d: {  	s2 =	sadd.s32 s2, s17  }
0x8e: {  	[smem:$0x3FC4] =	sst s2  }
0x8f: {  	_ = 	snop  }
0x90: {  	s2 =	sld [smem:$0x3FC9];
	(tm) =	ssettm $0x1  }
0x91: {  	s18 =	sld [smem:$0x3FFB];
	_ =	sdelay $0x3  }
0x92: {  	_ =	strace s18  }
0x93: {  	s3 =	sld [smem:$0x3FFC];
	_ =	sdelay $0x3  }
0x94: {  	_ =	strace s3  }
0x95: {  	s3 =	sld [smem:$0x3FFD];
	_ =	sdelay $0x3  }
0x96: {  	_ =	strace s3  }
0x97: {  	_ =	strace $0x8FFFFFFF  }
0x98: {  	s19 =	sld [smem:$0x3FDB];
	_ =	sdelay $0x1  }
0x99: {  	s4 =	simm.s32 $_scs_section_size  }
0x9a: {  	s5 =	simm.s32 $_size__tile_overlayer_lowered;
	s6 =	simm.s32 $_tile_overlayer_lowered  }
0x9b: {  	s22 =	simm.s32 $0x1BFF;
	s21 =	sshll.u32 s6, $0x1;
	s3 =	sadd.s32 s4, s19  }
0x9c: {  	s7 =	simm.s32 $0x0;
	s20 =	sshll.u32 s5, $0x1;
	s5 =	sadd.s32 s21, s3  }
0x9d: {  	[timem:s7], [sflag:s22] =	dma.local [hbm:s5], s20  }
0x9e: {  	_ =	swait.ge [sflag:s22], s20  }
0x9f: {  	s4 =	ssub.s32 $0x0, s20;
	[sflag:s22] =	ssyncset.done $0x0  }
0xa0: {  	[sflag:s22] =	ssyncadd.s32 s4;
	_ =	sdelay $0x1  }
0xa1: {  	s23 =	simm.s32 $0x1B8B  }
0xa2: {  	_ =	swait.ge [sflag:s23], $0x1  }
0xa3: {  	[sflag:s23] =	ssyncset.done $0x0  }
0xa4: {  	s25 =	simm.s32 $0x1B8E;
	s24 =	sld [smem:$0x3FFE];
	[sflag:s23] =	ssyncadd.s32 $0xFFFFFFFF  }
0xa5: {  	s26 =	simm.s32 $execute0_lowered;
	[smem:$0x3FD2] =	sst s25  }
0xa6: {  	s5 =	sshll.u32 s26, $0x1;
	_ =	strace $0x80000046;
	[dreg:$0x1] =	wrdreg $0xFFFFFFFF  }
0xa7: {  	s28 =	simm.s32 $_size_execute0_lowered;
	s3 =	sadd.s32 s3, s5;
	[dreg:$0x0] =	wrdreg $0x0  }
0xa8: {  	s5 =	sshll.u32 s28, $0x1;
	[dreg:$0x2] =	wrdreg s3  }
0xa9: {  	[dreg:$0x3] =	wrdreg s5  }
0xaa: {  	[dreg:$0x4] =	wrdreg $0xC0  }
0xab: {  	_ =	task [dreg:s7], $0x5FFFF  }
0xac: {  	[dreg:$0x1] =	wrdreg $0xFFFFFFFF  }
0xad: {  	[dreg:$0x0] =	wrdreg $0x60  }
0xae: {  	[dreg:$0x2] =	wrdreg s2  }
0xaf: {  	[dreg:$0x3] =	wrdreg s24  }
0xb0: {  	[dreg:$0x4] =	wrdreg $0xA  }
0xb1: {  	_ =	task.clear_ibuf [dreg:s7], $0x5FFFF;
	_ =	strace $0x90000046  }
0xb2: {  	s29 =	simm.s32 $0xA;
	_ =	strace $0x80000048  }
0xb3: {  	_ =	swait.ge [sflag:s29], $0x1  }
0xb4: {  	[sflag:s29] =	ssyncadd.s32 $0xFFFFFFFF  }
0xb5: {  	_ =	strace $0x90000048  }
0xb6: {  	_ =	sfence  }
0xb7: {  	s30 =	sld [smem:$0x0];
	_ =	sdelay $0x2  }
0xb8: {  	s31 =	sshll.u32 s1, $0xD;
	s1 =	sshrl.u32 s1, $0x2  }
0xb9: {  	s3 =	sand.u32 $0x4000, s31;
	s1 =	sadd.s32 s1, s30  }
0xba: {  	s0 =	sor.u32 s3, s0;
	s1 =	sshll.u32 s1, $0x11  }
0xbb: {  	s0 =	sor.u32 s1, s0  }
0xbc: {  	s0 =	sadd.s32 $0x8F2B, s0  }
0xbd: {  	[sflag:s0] =	ssyncadd.remote.s32 $0x1  }
0xbe: {  	_ =	sfence.sel $0xFFFF  }
0xbf: {  	[dreg:$0x0] =	wrdreg $0xFFFFFFFF;
	(pc) =	sbr.abs _section_cstart, $3  }
0xc0: {  	[dreg:$0x1] =	wrdreg $0xFFFFFFFF  }
0xc1: {  	_ =	task.clear_ibuf [dreg:s7], $0x2FFFF;
	_ =	strace $0x9FFFFFFF  }
0xc2: {  	(tm) =	ssettm $0x7FFFFFFF  }
0xc3: {  	_ =	shalt  }
tec
execute0_lowered:
.L_overlay_start_1:
0x0: {  	(tag) =	ssettag $0x1  }
0x1: {  	s1 =	srdreg.scid  }
0x2: {  	s0 =	stileid.u32;
	s1 =	sand.u32 $0x1, s1  }
0x3: {  	s2 =	rddreg [dreg:$0x0];
	s3 =	sshll.u32 s0, $0x5;
	s4 =	sshll.u32 s1, $0x4  }
0x4: {  	s5 =	rddreg [dreg:$0x1];
	s4 =	sor.u32 s4, s3;
	s3 =	simm.s32 $0x0  }
0x5: {  	s24 =	simm.s32 $0x880;
	[smem:$0x7FF] =	sst s3  }
0x6: {  	s25 =	simm.s32 $0x1080;
	_ =	strace $0x80000047;
	[dreg:$0x5] =	wrdreg s24  }
0x7: {  	s26 =	simm.s32 $0x1880;
	[dreg:$0x6] =	wrdreg s25  }
0x8: {  	s0 =	simm.s32 $0x2080;
	[dreg:$0x7] =	wrdreg s26  }
0x9: {  	s7 =	simm.s32 $0x3880;
	[dreg:$0x8] =	wrdreg s0  }
0xa: {  	s8 =	simm.s32 $0x4080;
	[dreg:$0xb] =	wrdreg s7  }
0xb: {  	s9 =	simm.s32 $0x4880;
	[dreg:$0xc] =	wrdreg s8  }
0xc: {  	s10 =	simm.s32 $0x5080;
	[dreg:$0xd] =	wrdreg s9  }
0xd: {  	s11 =	simm.s32 $0x5880;
	[dreg:$0xe] =	wrdreg s10  }
0xe: {  	s12 =	simm.s32 $0x6080;
	s13 =	simm.s32 $0x6880;
	[dreg:$0xf] =	wrdreg s11  }
0xf: {  	s14 =	simm.s32 $0x7080;
	s15 =	simm.s32 $0x7880;
	[dreg:$0x10] =	wrdreg s12  }
0x10: {  	s16 =	simm.s32 $0x8080;
	s17 =	simm.s32 $0x8880;
	[dreg:$0x11] =	wrdreg s13  }
0x11: {  	s18 =	simm.s32 $0x9080;
	s19 =	simm.s32 $0x9880;
	[dreg:$0x12] =	wrdreg s14  }
0x12: {  	s21 =	simm.s32 $0xA080;
	s22 =	simm.s32 $0xA880;
	[dreg:$0x13] =	wrdreg s15  }
0x13: {  	s28 =	simm.s32 $0x16880;
	s29 =	simm.s32 $0x17080;
	[dreg:$0x14] =	wrdreg s16  }
0x14: {  	s30 =	simm.s32 $0x17880;
	s1 =	ssub.s32 $0x2, s1;
	[dreg:$0x15] =	wrdreg s17  }
0x15: {  	s31 =	simm.s32 $0x1;
	s20 =	sshrl.u32 s1, $0x1;
	[dreg:$0x16] =	wrdreg s18  }
0x16: {  	s6 =	smul.u32 $0x300, s4;
	s4 =	sadd.s32 s4, s5;
	[dreg:$0x17] =	wrdreg s19  }
0x17: {  	s1 =	ssub.s32 s1, s20;
	s20 =	simm.s32 $0x13080;
	[dreg:$0x18] =	wrdreg s21  }
0x18: {  	s4 =	sadd.s32 $0x1000, s4;
	[dreg:$0x19] =	wrdreg s22;
	s7 =	simm.s32 $0xB880  }
0x19: {  	s24 =	simm.s32 $0xC080;
	s25 =	simm.s32 $0xC880;
	s8 =	simm.s32 $0x80  }
0x1a: {  	s26 =	simm.s32 $0xD080;
	s10 =	simm.s32 $0xE080;
	s11 =	simm.s32 $0xE880  }
0x1b: {  	s12 =	simm.s32 $0xF080;
	s13 =	simm.s32 $0xF880;
	s14 =	simm.s32 $0x10080  }
0x1c: {  	s15 =	simm.s32 $0x10880;
	s16 =	simm.s32 $0x11080;
	s17 =	simm.s32 $0x11880  }
0x1d: {  	s18 =	simm.s32 $0x12080;
	s19 =	simm.s32 $0x12880;
	[dreg:$0x3] =	wrdreg s4  }
0x1e: {  	s21 =	simm.s32 $0x13880;
	s22 =	simm.s32 $0x14080;
	[dreg:$0x1b] =	wrdreg s7  }
0x1f: {  	s5 =	sadd.s32 s6, s5;
	s6 =	simm.s32 $0x3080;
	[dreg:$0x1c] =	wrdreg s24  }
0x20: {  	s4 =	sadd.s32 $0x100, s2;
	s7 =	simm.s32 $0x3;
	[dreg:$0x1d] =	wrdreg s25  }
0x21: {  	[dreg:$0x1e] =	wrdreg s26;
	s24 =	simm.s32 $0x15080;
	s25 =	simm.s32 $0x15880  }
0x22: {  	s26 =	simm.s32 $0x16080;
	s23 =	sadd.s32 $0x1400, s5;
	[dreg:$0xa] =	wrdreg s6  }
0x23: {  	v2 =	vlaneseq.u32;
	s5 =	simm.s32 $0x2880;
	s6 =	smax.u32 s1, $0x1;
	[dreg:$0x4] =	wrdreg s23  }
0x24: {  	vm0 =	vmmov $0xffff;
	v1 =	vshrl.u32 v2, $0x3;
	s1 =	simm.s32 $0x2;
	[dreg:$0x9] =	wrdreg s5;
	s23 =	simm.s32 $0xB080  }
0x25: {  	v0 =	vand.u32 $0x7, v2;
	v2 =	vor.u32 $0x8, v2;
	v1 =	vmul.u32 $0x8, v1;
	s5 =	sadd.s32 $0x200, s2;
	[dreg:$0x1a] =	wrdreg s23;
	s23 =	simm.s32 $0x14880  }
.LBB2_1:
0x26: {  	s0 =	rddreg [dreg:$0x3]  }
0x27: {  	[tilespmem:s3], [sflag:$0x3] =	stream.linear.gather [hbm4b:s0+s3], $0x80, $0x38;
	[tilespmem:$0x18080] =	vst v63  }
0x28: {  	_ =	swait.ge [sflag:s7], $0x80  }
0x29: {  	[sflag:s7] =	ssyncset.done $0x0  }
0x2a: {  	[sflag:s7] =	ssyncadd.s32 $0xFFFFFF80  }
0x2b: {  	v3 =	vld [tilespmem:$0x0];
	_ =	sdelay $0x4  }
0x2c: {  	v4 =	vshrl.u32 v3, $0x3  }
0x2d: {  	v4 =	vmul.u32 $0x30, v4  }
0x2e: {  	v3 =	vand.u32 $0x7, v3  }
0x2f: {  	v3 =	vor.u32 v3, v4  }
0x30: {  	v4 =	vperm.xlane v3, v0;
	_ =	sdelay $0x1  }
0x31: {  	v4 =	vadd.s32 v1, v4;
	_ =	sdelay $0x3  }
0x32: {  	v3 =	vperm.xlane v3, v2  }
0x33: {  	[tilespmem:s8], [sflag:$0x1] =	stream.indirect_vreg.gather [hbm4b:s2+s3], $0x80, v4, vm0, $0xb8;
	[tilespmem:$0x18080] =	vst v63  }
0x34: {  	s0 =	rddreg [dreg:$0x5];
	v3 =	vadd.s32 v1, v3  }
0x35: {  	[tilespmem:s0], [sflag:$0x1] =	stream.indirect_vreg.gather [hbm4b:s4+s3], $0x80, v4, vm0, $0xb8;
	[tilespmem:$0x18080] =	vst v63  }
0x36: {  	s9 =	rddreg [dreg:$0x6]  }
0x37: {  	[tilespmem:s9], [sflag:$0x1] =	stream.indirect_vreg.gather [hbm4b:s5+s3], $0x80, v4, vm0, $0xb8;
	[tilespmem:$0x18080] =	vst v63  }
0x38: {  	s0 =	rddreg [dreg:$0x7]  }
0x39: {  	[tilespmem:s0], [sflag:$0x1] =	stream.indirect_vreg.gather [hbm4b:s2+s3], $0x80, v3, vm0, $0xb8;
	[tilespmem:$0x18080] =	vst v63  }
0x3a: {  	s9 =	rddreg [dreg:$0x8]  }
0x3b: {  	[tilespmem:s9], [sflag:$0x1] =	stream.indirect_vreg.gather [hbm4b:s4+s3], $0x80, v3, vm0, $0xb8;
	[tilespmem:$0x18080] =	vst v63  }
0x3c: {  	s0 =	rddreg [dreg:$0x9]  }
0x3d: {  	[tilespmem:s0], [sflag:$0x1] =	stream.indirect_vreg.gather [hbm4b:s5+s3], $0x80, v3, vm0, $0xb8;
	[tilespmem:$0x18080] =	vst v63  }
0x3e: {  	v3 =	vld [tilespmem:$0x10];
	_ =	sdelay $0x4  }
0x3f: {  	v57 =	vshrl.u32 v3, $0x3  }
0x40: {  	v4 =	vmul.u32 $0x30, v57  }
0x41: {  	v3 =	vand.u32 $0x7, v3  }
0x42: {  	v3 =	vor.u32 v3, v4  }
0x43: {  	v4 =	vperm.xlane v3, v0;
	_ =	sdelay $0x1  }
0x44: {  	v4 =	vadd.s32 v1, v4;
	_ =	sdelay $0x3  }
0x45: {  	s0 =	rddreg [dreg:$0xa];
	v3 =	vperm.xlane v3, v2  }
0x46: {  	[tilespmem:s0], [sflag:$0x1] =	stream.indirect_vreg.gather [hbm4b:s2+s3], $0x80, v4, vm0, $0xb8;
	[tilespmem:$0x18080] =	vst v63  }
0x47: {  	s9 =	rddreg [dreg:$0xb];
	v3 =	vadd.s32 v1, v3  }
0x48: {  	[tilespmem:s9], [sflag:$0x1] =	stream.indirect_vreg.gather [hbm4b:s4+s3], $0x80, v4, vm0, $0xb8;
	[tilespmem:$0x18080] =	vst v63  }
0x49: {  	s0 =	rddreg [dreg:$0xc]  }
0x4a: {  	[tilespmem:s0], [sflag:$0x1] =	stream.indirect_vreg.gather [hbm4b:s5+s3], $0x80, v4, vm0, $0xb8;
	[tilespmem:$0x18080] =	vst v63  }
0x4b: {  	s9 =	rddreg [dreg:$0xd]  }
0x4c: {  	[tilespmem:s9], [sflag:$0x1] =	stream.indirect_vreg.gather [hbm4b:s2+s3], $0x80, v3, vm0, $0xb8;
	[tilespmem:$0x18080] =	vst v63  }
0x4d: {  	s0 =	rddreg [dreg:$0xe]  }
0x4e: {  	[tilespmem:s0], [sflag:$0x1] =	stream.indirect_vreg.gather [hbm4b:s4+s3], $0x80, v3, vm0, $0xb8;
	[tilespmem:$0x18080] =	vst v63  }
0x4f: {  	s9 =	rddreg [dreg:$0xf]  }
0x50: {  	[tilespmem:s9], [sflag:$0x1] =	stream.indirect_vreg.gather [hbm4b:s5+s3], $0x80, v3, vm0, $0xb8;
	[tilespmem:$0x18080] =	vst v63  }
0x51: {  	v3 =	vld [tilespmem:$0x20];
	_ =	sdelay $0x4  }
0x52: {  	v58 =	vshrl.u32 v3, $0x3  }
0x53: {  	v4 =	vmul.u32 $0x30, v58  }
0x54: {  	v3 =	vand.u32 $0x7, v3  }
0x55: {  	v3 =	vor.u32 v3, v4  }
0x56: {  	v4 =	vperm.xlane v3, v0;
	_ =	sdelay $0x1  }
0x57: {  	v4 =	vadd.s32 v1, v4;
	_ =	sdelay $0x3  }
0x58: {  	s0 =	rddreg [dreg:$0x10];
	v3 =	vperm.xlane v3, v2  }
0x59: {  	[tilespmem:s0], [sflag:$0x1] =	stream.indirect_vreg.gather [hbm4b:s2+s3], $0x80, v4, vm0, $0xb8;
	[tilespmem:$0x18080] =	vst v63  }
0x5a: {  	s9 =	rddreg [dreg:$0x11];
	v3 =	vadd.s32 v1, v3  }
0x5b: {  	[tilespmem:s9], [sflag:$0x1] =	stream.indirect_vreg.gather [hbm4b:s4+s3], $0x80, v4, vm0, $0xb8;
	[tilespmem:$0x18080] =	vst v63  }
0x5c: {  	s0 =	rddreg [dreg:$0x12]  }
0x5d: {  	[tilespmem:s0], [sflag:$0x1] =	stream.indirect_vreg.gather [hbm4b:s5+s3], $0x80, v4, vm0, $0xb8;
	[tilespmem:$0x18080] =	vst v63  }
0x5e: {  	s9 =	rddreg [dreg:$0x13]  }
0x5f: {  	[tilespmem:s9], [sflag:$0x1] =	stream.indirect_vreg.gather [hbm4b:s2+s3], $0x80, v3, vm0, $0xb8;
	[tilespmem:$0x18080] =	vst v63  }
0x60: {  	s0 =	rddreg [dreg:$0x14]  }
0x61: {  	[tilespmem:s0], [sflag:$0x1] =	stream.indirect_vreg.gather [hbm4b:s4+s3], $0x80, v3, vm0, $0xb8;
	[tilespmem:$0x18080] =	vst v63  }
0x62: {  	s9 =	rddreg [dreg:$0x15]  }
0x63: {  	[tilespmem:s9], [sflag:$0x1] =	stream.indirect_vreg.gather [hbm4b:s5+s3], $0x80, v3, vm0, $0xb8;
	[tilespmem:$0x18080] =	vst v63  }
0x64: {  	v3 =	vld [tilespmem:$0x30];
	_ =	sdelay $0x4  }
0x65: {  	v59 =	vshrl.u32 v3, $0x3  }
0x66: {  	v4 =	vmul.u32 $0x30, v59  }
0x67: {  	v3 =	vand.u32 $0x7, v3  }
0x68: {  	v3 =	vor.u32 v3, v4  }
0x69: {  	v4 =	vperm.xlane v3, v0;
	_ =	sdelay $0x1  }
0x6a: {  	v4 =	vadd.s32 v1, v4;
	_ =	sdelay $0x3  }
0x6b: {  	s0 =	rddreg [dreg:$0x16];
	v3 =	vperm.xlane v3, v2  }
0x6c: {  	[tilespmem:s0], [sflag:$0x1] =	stream.indirect_vreg.gather [hbm4b:s2+s3], $0x80, v4, vm0, $0xb8;
	[tilespmem:$0x18080] =	vst v63  }
0x6d: {  	s9 =	rddreg [dreg:$0x17];
	v3 =	vadd.s32 v1, v3  }
0x6e: {  	[tilespmem:s9], [sflag:$0x1] =	stream.indirect_vreg.gather [hbm4b:s4+s3], $0x80, v4, vm0, $0xb8;
	[tilespmem:$0x18080] =	vst v63  }
0x6f: {  	s0 =	rddreg [dreg:$0x18]  }
0x70: {  	[tilespmem:s0], [sflag:$0x1] =	stream.indirect_vreg.gather [hbm4b:s5+s3], $0x80, v4, vm0, $0xb8;
	[tilespmem:$0x18080] =	vst v63  }
0x71: {  	s9 =	rddreg [dreg:$0x19]  }
0x72: {  	[tilespmem:s9], [sflag:$0x1] =	stream.indirect_vreg.gather [hbm4b:s2+s3], $0x80, v3, vm0, $0xb8;
	[tilespmem:$0x18080] =	vst v63  }
0x73: {  	s0 =	rddreg [dreg:$0x1a]  }
0x74: {  	[tilespmem:s0], [sflag:$0x1] =	stream.indirect_vreg.gather [hbm4b:s4+s3], $0x80, v3, vm0, $0xb8;
	[tilespmem:$0x18080] =	vst v63  }
0x75: {  	s9 =	rddreg [dreg:$0x1b]  }
0x76: {  	[tilespmem:s9], [sflag:$0x1] =	stream.indirect_vreg.gather [hbm4b:s5+s3], $0x80, v3, vm0, $0xb8;
	[tilespmem:$0x18080] =	vst v63  }
0x77: {  	v3 =	vld [tilespmem:$0x40];
	_ =	sdelay $0x4  }
0x78: {  	v60 =	vshrl.u32 v3, $0x3  }
0x79: {  	v4 =	vmul.u32 $0x30, v60  }
0x7a: {  	v3 =	vand.u32 $0x7, v3  }
0x7b: {  	v3 =	vor.u32 v3, v4  }
0x7c: {  	v4 =	vperm.xlane v3, v0;
	_ =	sdelay $0x1  }
0x7d: {  	v4 =	vadd.s32 v1, v4;
	_ =	sdelay $0x3  }
0x7e: {  	s0 =	rddreg [dreg:$0x1c];
	v3 =	vperm.xlane v3, v2  }
0x7f: {  	[tilespmem:s0], [sflag:$0x1] =	stream.indirect_vreg.gather [hbm4b:s2+s3], $0x80, v4, vm0, $0xb8;
	[tilespmem:$0x18080] =	vst v63  }
0x80: {  	s9 =	rddreg [dreg:$0x1d];
	v3 =	vadd.s32 v1, v3  }
0x81: {  	[tilespmem:s9], [sflag:$0x1] =	stream.indirect_vreg.gather [hbm4b:s4+s3], $0x80, v4, vm0, $0xb8;
	[tilespmem:$0x18080] =	vst v63  }
0x82: {  	s0 =	rddreg [dreg:$0x1e]  }
0x83: {  	[tilespmem:s0], [sflag:$0x1] =	stream.indirect_vreg.gather [hbm4b:s5+s3], $0x80, v4, vm0, $0xb8;
	[tilespmem:$0x18080] =	vst v63  }
0x84: {  	s9 =	simm.s32 $0xD880  }
0x85: {  	[tilespmem:s9], [sflag:$0x1] =	stream.indirect_vreg.gather [hbm4b:s2+s3], $0x80, v3, vm0, $0xb8;
	[tilespmem:$0x18080] =	vst v63  }
0x86: {  	_ = 	snop  }
0x87: {  	[tilespmem:s10], [sflag:$0x1] =	stream.indirect_vreg.gather [hbm4b:s4+s3], $0x80, v3, vm0, $0xb8;
	[tilespmem:$0x18080] =	vst v63  }
0x88: {  	_ = 	snop  }
0x89: {  	[tilespmem:s11], [sflag:$0x1] =	stream.indirect_vreg.gather [hbm4b:s5+s3], $0x80, v3, vm0, $0xb8;
	[tilespmem:$0x18080] =	vst v63  }
0x8a: {  	v3 =	vld [tilespmem:$0x50];
	_ =	sdelay $0x4  }
0x8b: {  	v61 =	vshrl.u32 v3, $0x3  }
0x8c: {  	v4 =	vmul.u32 $0x30, v61  }
0x8d: {  	v3 =	vand.u32 $0x7, v3  }
0x8e: {  	v3 =	vor.u32 v3, v4  }
0x8f: {  	v4 =	vperm.xlane v3, v0;
	_ =	sdelay $0x1  }
0x90: {  	v4 =	vadd.s32 v1, v4;
	_ =	sdelay $0x3  }
0x91: {  	v3 =	vperm.xlane v3, v2  }
0x92: {  	[tilespmem:s12], [sflag:$0x1] =	stream.indirect_vreg.gather [hbm4b:s2+s3], $0x80, v4, vm0, $0xb8;
	[tilespmem:$0x18080] =	vst v63  }
0x93: {  	v3 =	vadd.s32 v1, v3  }
0x94: {  	[tilespmem:s13], [sflag:$0x1] =	stream.indirect_vreg.gather [hbm4b:s4+s3], $0x80, v4, vm0, $0xb8;
	[tilespmem:$0x18080] =	vst v63  }
0x95: {  	_ = 	snop  }
0x96: {  	[tilespmem:s14], [sflag:$0x1] =	stream.indirect_vreg.gather [hbm4b:s5+s3], $0x80, v4, vm0, $0xb8;
	[tilespmem:$0x18080] =	vst v63  }
0x97: {  	_ = 	snop  }
0x98: {  	[tilespmem:s15], [sflag:$0x1] =	stream.indirect_vreg.gather [hbm4b:s2+s3], $0x80, v3, vm0, $0xb8;
	[tilespmem:$0x18080] =	vst v63  }
0x99: {  	_ = 	snop  }
0x9a: {  	[tilespmem:s16], [sflag:$0x1] =	stream.indirect_vreg.gather [hbm4b:s4+s3], $0x80, v3, vm0, $0xb8;
	[tilespmem:$0x18080] =	vst v63  }
0x9b: {  	_ = 	snop  }
0x9c: {  	[tilespmem:s17], [sflag:$0x1] =	stream.indirect_vreg.gather [hbm4b:s5+s3], $0x80, v3, vm0, $0xb8;
	[tilespmem:$0x18080] =	vst v63  }
0x9d: {  	v3 =	vld [tilespmem:$0x60];
	_ =	sdelay $0x4  }
0x9e: {  	v62 =	vshrl.u32 v3, $0x3  }
0x9f: {  	v4 =	vmul.u32 $0x30, v62  }
0xa0: {  	v3 =	vand.u32 $0x7, v3  }
0xa1: {  	v3 =	vor.u32 v3, v4  }
0xa2: {  	v4 =	vperm.xlane v3, v0;
	_ =	sdelay $0x1  }
0xa3: {  	v4 =	vadd.s32 v1, v4;
	_ =	sdelay $0x3  }
0xa4: {  	v3 =	vperm.xlane v3, v2  }
0xa5: {  	[tilespmem:s18], [sflag:$0x1] =	stream.indirect_vreg.gather [hbm4b:s2+s3], $0x80, v4, vm0, $0xb8;
	[tilespmem:$0x18080] =	vst v63  }
0xa6: {  	v3 =	vadd.s32 v1, v3  }
0xa7: {  	[tilespmem:s19], [sflag:$0x1] =	stream.indirect_vreg.gather [hbm4b:s4+s3], $0x80, v4, vm0, $0xb8;
	[tilespmem:$0x18080] =	vst v63  }
0xa8: {  	_ = 	snop  }
0xa9: {  	[tilespmem:s20], [sflag:$0x1] =	stream.indirect_vreg.gather [hbm4b:s5+s3], $0x80, v4, vm0, $0xb8;
	[tilespmem:$0x18080] =	vst v63  }
0xaa: {  	_ = 	snop  }
0xab: {  	[tilespmem:s21], [sflag:$0x1] =	stream.indirect_vreg.gather [hbm4b:s2+s3], $0x80, v3, vm0, $0xb8;
	[tilespmem:$0x18080] =	vst v63  }
0xac: {  	_ = 	snop  }
0xad: {  	[tilespmem:s22], [sflag:$0x1] =	stream.indirect_vreg.gather [hbm4b:s4+s3], $0x80, v3, vm0, $0xb8;
	[tilespmem:$0x18080] =	vst v63  }
0xae: {  	_ = 	snop  }
0xaf: {  	[tilespmem:s23], [sflag:$0x1] =	stream.indirect_vreg.gather [hbm4b:s5+s3], $0x80, v3, vm0, $0xb8;
	[tilespmem:$0x18080] =	vst v63  }
0xb0: {  	v3 =	vld [tilespmem:$0x70];
	_ =	sdelay $0x4  }
0xb1: {  	v63 =	vshrl.u32 v3, $0x3  }
0xb2: {  	v4 =	vmul.u32 $0x30, v63  }
0xb3: {  	v3 =	vand.u32 $0x7, v3  }
0xb4: {  	v3 =	vor.u32 v3, v4  }
0xb5: {  	v4 =	vperm.xlane v3, v0;
	_ =	sdelay $0x1  }
0xb6: {  	v4 =	vadd.s32 v1, v4;
	_ =	sdelay $0x3  }
0xb7: {  	v3 =	vperm.xlane v3, v2  }
0xb8: {  	[tilespmem:s24], [sflag:$0x1] =	stream.indirect_vreg.gather [hbm4b:s2+s3], $0x80, v4, vm0, $0xb8;
	[tilespmem:$0x18080] =	vst v63  }
0xb9: {  	v3 =	vadd.s32 v1, v3  }
0xba: {  	[tilespmem:s25], [sflag:$0x1] =	stream.indirect_vreg.gather [hbm4b:s4+s3], $0x80, v4, vm0, $0xb8;
	[tilespmem:$0x18080] =	vst v63  }
0xbb: {  	_ = 	snop  }
0xbc: {  	[tilespmem:s26], [sflag:$0x1] =	stream.indirect_vreg.gather [hbm4b:s5+s3], $0x80, v4, vm0, $0xb8;
	[tilespmem:$0x18080] =	vst v63  }
0xbd: {  	_ = 	snop  }
0xbe: {  	[tilespmem:s28], [sflag:$0x1] =	stream.indirect_vreg.gather [hbm4b:s2+s3], $0x80, v3, vm0, $0xb8;
	[tilespmem:$0x18080] =	vst v63  }
0xbf: {  	_ = 	snop  }
0xc0: {  	[tilespmem:s29], [sflag:$0x1] =	stream.indirect_vreg.gather [hbm4b:s4+s3], $0x80, v3, vm0, $0xb8;
	[tilespmem:$0x18080] =	vst v63  }
0xc1: {  	_ = 	snop  }
0xc2: {  	[tilespmem:s30], [sflag:$0x1] =	stream.indirect_vreg.gather [hbm4b:s5+s3], $0x80, v3, vm0, $0xb8;
	[tilespmem:$0x18080] =	vst v63  }
0xc3: {  	_ =	swait.ge [sflag:s31], $0x18000  }
0xc4: {  	p0 =	sne.s32 s6, $0x1;
	[sflag:s31] =	ssyncset.done $0x0  }
.Ltmp0:
0xc5: {  	s9 =	rddreg [dreg:$0x4];
	[sflag:s31] =	ssyncadd.s32 $0xFFFE8000;
	(pc) =	sbr.rel @p0 .LBB2_1-.Ltmp0, $4  }
0xc6: {  	[hbm4b:s9+s3] =	stream.linear.scatter [tilespmem:s8], [sflag:$0x2], $0x18000, $0x38;
	[tilespmem:$0x18080] =	vst v63  }
0xc7: {  	_ =	swait.ge [sflag:s1], $0x18000  }
0xc8: {  	[sflag:s1] =	ssyncset.done $0x0  }
0xc9: {  	s6 =	sadd.s32 $0xFFFFFFFF, s6;
	[sflag:s1] =	ssyncadd.s32 $0xFFFE8000  }
0xca: {  	_ =	sfence.sel $0x180000  }
0xcb: {  	[bflag:$0x0] =	sbarrier.arrive $0xFFFF  }
0xcc: {  	_ =	strace $0x90000047  }
0xcd: {  	s0 =	stileid.u32;
	[bflag:$0x2] =	sbarrier.arrive $0xFFFF  }
0xce: {  	p0 =	sne.s32 s0, $0x0;
	s0 =	rddreg [dreg:$0x2]  }
0xcf: {  	s0 =	sadd.s32 @!p0 $0x100000, s0  }
0xd0: {  	[sflag:s0] =	ssyncadd.tile.s32 @!p0 $0x1;
	_ =	shalt  }
.Lfunc_end2:
_tile_overlayer_lowered:
.L_overlay_start_2:
0xd1: {  	(tag) =	ssettag $0x2  }
0xd2: {  	s0 =	rddreg [dreg:$0x0];
	s2 =	stileid.u32  }
0xd3: {  	s1 =	rddreg [dreg:$0x1];
	p0 =	sne.s32 s2, $0x0  }
0xd4: {  	s3 =	rddreg [dreg:$0x2];
	[bflag:$0x3] =	sbarrier.arrive $0xFFFF;
	s2 =	simm.s32 @!p0 $0x1C03  }
0xd5: {  	[timem:s3], [sflag:s2] =	dma.local @!p0 [hbm:s0], s1  }
0xd6: {  	s0 =	simm.s32 @!p0 $0x3  }
0xd7: {  	_ =	swait.ge @!p0 [sflag:s0], s1  }
0xd8: {  	s1 =	ssub.s32 @!p0 $0x0, s1;
	[sflag:s0] =	ssyncset.done @!p0 $0x0  }
0xd9: {  	[sflag:s0] =	ssyncadd.s32 @!p0 s1  }
0xda: {  	[bflag:$0x3] =	sbarrier.arrive $0xFFFF  }
0xdb: {  	_ =	shalt  }

// kernel: kernel.13.cloned.1.call-start
scs
__scs_entry_jumppad:
0x0: {  	(pc) =	sbr.rel $0x88, $3  }
0x1: {  	(tag) =	ssettag $0x0;
	lr =	simm.s32 $0x1  }
0x2: {  	[smem:$0x3F9D] =	sst lr;
	_ =	strace $0xD0000000  }
0x3: {  	_ = 	snop  }
0x4: {  	_ = 	snop  }
0x5: {  	_ = 	snop  }
0x6: {  	_ = 	snop  }
0x7: {  	_ = 	snop  }
__scs_overlays_trampoline_lowered:
0x8: {  	[smem:$0x3FAC] =	sst s0  }
0x9: {  	[smem:$0x3FAD] =	sst s1  }
0xa: {  	[smem:$0x3FAE] =	sst s2  }
0xb: {  	[smem:$0x3FAF] =	sst s3  }
0xc: {  	[smem:$0x3FB0] =	sst s4  }
0xd: {  	[smem:$0x3FB1] =	sst s5  }
0xe: {  	[smem:$0x3FB2] =	sst s6  }
0xf: {  	[smem:$0x3FB3] =	sst s7  }
0x10: {  	[smem:$0x3FB4] =	sst s8  }
0x11: {  	[smem:$0x3FB5] =	sst s9;
	s0 =	simm.s32 @!p0 $0x0  }
0x12: {  	s1 =	sld [smem:$0x3F9B];
	s0 =	simm.s32 @p0 $0x1  }
0x13: {  	[smem:$0x3FB6] =	sst s0;
	s0 =	simm.s32 @!p1 $0x0  }
0x14: {  	s2 =	sld [smem:$0x3F9A];
	s0 =	simm.s32 @p1 $0x1  }
0x15: {  	[smem:$0x3FB7] =	sst s0;
	s0 =	simm.s32 @!p2 $0x0  }
0x16: {  	s3 =	sld [smem:$0x3FDB];
	s0 =	simm.s32 @p2 $0x1  }
0x17: {  	s4 =	simm.s32 $0x1BF5;
	[smem:$0x3FB9] =	sst s0  }
0x18: {  	s0 =	sld [smem:$0x3F9C];
	_ =	swait.ge [sflag:s4], $0x0  }
0x19: {  	s7 =	sld [smem:$0x3F9D]  }
0x1a: {  	s8 =	sadd.s32 $0xFFFFE003, lr  }
0x1b: {  	s9 =	sadd.s32 $0xFFFFFEF7, lr;
	s5 =	simm.s32 $0xFFFFFFFF;
	p2 =	slt.u32 s8, $0xFFFFF086  }
0x1c: {  	p1 =	slt.u32 s9, $0xF7A;
	s5 =	simm.s32 @!p2 $0x0  }
0x1d: {  	s5 =	simm.s32 @p1 $0x1;
	p0 =	seq.s32 s7, s2  }
0x1e: {  	s7 =	smul.u32 @!p0 $0xF7A, s2;
	p2 =	seq.s32 @!p0 s5, $0x0  }
0x1f: {  	s9 =	smul.u32 $0xF7A, s1;
	s8 =	simm.s32 @!p0 $0x1BF5;
	p2 =	por !p2, p0  }
0x20: {  	[sflag:s8] =	ssyncset.s32 @!p0 $0xFFFFF086;
	s6 =	sadd.s32 @!p0 s3, s7;
	s7 =	simm.s32 @!p0 $0x108  }
0x21: {  	s3 =	sadd.s32 s3, s9;
	s6 =	sadd.s32 @!p0 $0x88, s6;
	s7 =	simm.s32 @p2 $0x1082  }
0x22: {  	[simem:s7], [sflag:s8] =	dma.local @!p0 [hbm:s6], $0xF7A  }
0x23: {  	s9 =	sor.u32 $0xD0000000, s2;
	s6 =	simm.s32 $0x108;
	_ =	swait.ge @!p0 [sflag:s8], $0x0  }
0x24: {  	s3 =	sadd.s32 $0x88, s3;
	s6 =	simm.s32 @!p1 $0x1082;
	[sflag:s4] =	ssyncset.s32 $0xFFFFF086  }
0x25: {  	[simem:s6], [sflag:s4] =	dma.local [hbm:s3], $0xF7A  }
0x26: {  	[smem:$0x3F9D] =	sst s1;
	(tag) =	ssettag s2;
	_ =	strace s9  }
0x27: {  	s1 =	sld [smem:$0x3FAD]  }
0x28: {  	s2 =	sld [smem:$0x3FAE]  }
0x29: {  	s4 =	sld [smem:$0x3FB0]  }
0x2a: {  	p0 =	seq.s32 s5, $0x0;
	s5 =	sld [smem:$0x3FB1]  }
0x2b: {  	s6 =	sld [smem:$0x3FB2]  }
0x2c: {  	s7 =	sld [smem:$0x3FB3]  }
0x2d: {  	s3 =	simm.s32 $0x108;
	s8 =	sld [smem:$0x3FB4]  }
0x2e: {  	s3 =	simm.s32 @!p0 $0x1082;
	s9 =	sld [smem:$0x3FB5]  }
0x2f: {  	lr =	sadd.s32 s0, s3;
	s0 =	sld [smem:$0x3FAC]  }
0x30: {  	s3 =	sld [smem:$0x3FAF]  }
0x31: {  	[smem:$0x3FB8] =	sst s10  }
0x32: {  	s10 =	sld [smem:$0x3FB6];
	_ =	sdelay $0x3  }
0x33: {  	p0 =	seq.s32 s10, $0x1;
	s10 =	sld [smem:$0x3FB8];
	_ =	sdelay $0x3  }
0x34: {  	[smem:$0x3FB8] =	sst s10  }
0x35: {  	s10 =	sld [smem:$0x3FB7];
	_ =	sdelay $0x3  }
0x36: {  	p1 =	seq.s32 s10, $0x1;
	s10 =	sld [smem:$0x3FB8];
	_ =	sdelay $0x3  }
0x37: {  	[smem:$0x3FB8] =	sst s10  }
0x38: {  	s10 =	sld [smem:$0x3FB9]  }
0x39: {  	_ = 	snop;
	(pc) =	sbr.ind lr, $3  }
0x3a: {  	_ = 	snop  }
0x3b: {  	_ = 	snop  }
0x3c: {  	p2 =	seq.s32 s10, $0x1;
	s10 =	sld [smem:$0x3FB8]  }
0x3d: {  	_ =	shalt  }
0x3e: {  	_ =	shalt  }
0x3f: {  	_ =	shalt  }
0x40: {  	_ =	shalt  }
0x41: {  	_ =	shalt  }
0x42: {  	_ =	shalt  }
0x43: {  	_ =	shalt  }
0x44: {  	_ =	shalt  }
0x45: {  	_ =	shalt  }
0x46: {  	_ =	shalt  }
0x47: {  	_ =	shalt  }
0x48: {  	_ =	shalt  }
0x49: {  	_ =	shalt  }
0x4a: {  	_ =	shalt  }
0x4b: {  	_ =	shalt  }
0x4c: {  	_ =	shalt  }
0x4d: {  	_ =	shalt  }
0x4e: {  	_ =	shalt  }
0x4f: {  	_ =	shalt  }
0x50: {  	_ =	shalt  }
0x51: {  	_ =	shalt  }
0x52: {  	_ =	shalt  }
0x53: {  	_ =	shalt  }
0x54: {  	_ =	shalt  }
0x55: {  	_ =	shalt  }
0x56: {  	_ =	shalt  }
0x57: {  	_ =	shalt  }
0x58: {  	_ =	shalt  }
0x59: {  	_ =	shalt  }
0x5a: {  	_ =	shalt  }
0x5b: {  	_ =	shalt  }
0x5c: {  	_ =	shalt  }
0x5d: {  	_ =	shalt  }
0x5e: {  	_ =	shalt  }
0x5f: {  	_ =	shalt  }
0x60: {  	_ =	shalt  }
0x61: {  	_ =	shalt  }
0x62: {  	_ =	shalt  }
0x63: {  	_ =	shalt  }
0x64: {  	_ =	shalt  }
0x65: {  	_ =	shalt  }
0x66: {  	_ =	shalt  }
0x67: {  	_ =	shalt  }
0x68: {  	_ =	shalt  }
0x69: {  	_ =	shalt  }
0x6a: {  	_ =	shalt  }
0x6b: {  	_ =	shalt  }
0x6c: {  	_ =	shalt  }
0x6d: {  	_ =	shalt  }
0x6e: {  	_ =	shalt  }
0x6f: {  	_ =	shalt  }
0x70: {  	_ =	shalt  }
0x71: {  	_ =	shalt  }
0x72: {  	_ =	shalt  }
0x73: {  	_ =	shalt  }
0x74: {  	_ =	shalt  }
0x75: {  	_ =	shalt  }
0x76: {  	_ =	shalt  }
0x77: {  	_ =	shalt  }
0x78: {  	_ =	shalt  }
0x79: {  	_ =	shalt  }
0x7a: {  	_ =	shalt  }
0x7b: {  	_ =	shalt  }
0x7c: {  	_ =	shalt  }
0x7d: {  	_ =	shalt  }
0x7e: {  	_ =	shalt  }
0x7f: {  	_ =	shalt  }
0x80: {  	_ =	shalt  }
0x81: {  	_ =	shalt  }
0x82: {  	_ =	shalt  }
0x83: {  	_ =	shalt  }
0x84: {  	_ =	shalt  }
0x85: {  	_ =	shalt  }
0x86: {  	_ =	shalt  }
0x87: {  	_ =	shalt  }
.Lfunc_end0:
.L_simem_size_0:
called_computation.2_lowered:
.L_overlay_start_0:
0x88: {  	s2 =	sld [smem:$0x3FD9]  }
0x89: {  	s3 =	sld [smem:$0x3FFE];
	_ =	sdelay $0x1  }
0x8a: {  	s1 =	srdreg.scid  }
0x8b: {  	s0 =	sand.u32 $0x1, s1  }
0x8c: {  	s17 =	sshll.u32 s0, $0xA;
	s2 =	sadd.s32 s3, s2  }
0x8d: {  	s2 =	sadd.s32 s2, s17  }
0x8e: {  	[smem:$0x3FC4] =	sst s2  }
0x8f: {  	_ = 	snop  }
0x90: {  	s2 =	sld [smem:$0x3FD0];
	(tm) =	ssettm $0x1  }
0x91: {  	s18 =	sld [smem:$0x3FFB];
	_ =	sdelay $0x3  }
0x92: {  	_ =	strace s18  }
0x93: {  	s3 =	sld [smem:$0x3FFC];
	_ =	sdelay $0x3  }
0x94: {  	_ =	strace s3  }
0x95: {  	s3 =	sld [smem:$0x3FFD];
	_ =	sdelay $0x3  }
0x96: {  	_ =	strace s3  }
0x97: {  	_ =	strace $0x8FFFFFFF  }
0x98: {  	s19 =	sld [smem:$0x3FDB];
	_ =	sdelay $0x1  }
0x99: {  	s4 =	simm.s32 $_scs_section_size  }
0x9a: {  	s5 =	simm.s32 $_size__tile_overlayer_lowered;
	s6 =	simm.s32 $_tile_overlayer_lowered  }
0x9b: {  	s22 =	simm.s32 $0x1BFF;
	s21 =	sshll.u32 s6, $0x1;
	s3 =	sadd.s32 s4, s19  }
0x9c: {  	s7 =	simm.s32 $0x0;
	s20 =	sshll.u32 s5, $0x1;
	s5 =	sadd.s32 s21, s3  }
0x9d: {  	[timem:s7], [sflag:s22] =	dma.local [hbm:s5], s20  }
0x9e: {  	_ =	swait.ge [sflag:s22], s20  }
0x9f: {  	s4 =	ssub.s32 $0x0, s20;
	[sflag:s22] =	ssyncset.done $0x0  }
0xa0: {  	[sflag:s22] =	ssyncadd.s32 s4;
	_ =	sdelay $0x1  }
0xa1: {  	s23 =	simm.s32 $0x1B8B  }
0xa2: {  	_ =	swait.ge [sflag:s23], $0x1  }
0xa3: {  	[sflag:s23] =	ssyncset.done $0x0  }
0xa4: {  	s25 =	simm.s32 $0x1B8E;
	s24 =	sld [smem:$0x3FFE];
	[sflag:s23] =	ssyncadd.s32 $0xFFFFFFFF  }
0xa5: {  	s26 =	simm.s32 $execute0_lowered;
	[smem:$0x3FD2] =	sst s25  }
0xa6: {  	s5 =	sshll.u32 s26, $0x1;
	_ =	strace $0x8000004C;
	[dreg:$0x1] =	wrdreg $0xFFFFFFFF  }
0xa7: {  	s28 =	simm.s32 $_size_execute0_lowered;
	s3 =	sadd.s32 s3, s5;
	[dreg:$0x0] =	wrdreg $0x0  }
0xa8: {  	s5 =	sshll.u32 s28, $0x1;
	[dreg:$0x2] =	wrdreg s3  }
0xa9: {  	[dreg:$0x3] =	wrdreg s5  }
0xaa: {  	[dreg:$0x4] =	wrdreg $0xC0  }
0xab: {  	_ =	task [dreg:s7], $0x5FFFF  }
0xac: {  	[dreg:$0x1] =	wrdreg $0xFFFFFFFF  }
0xad: {  	[dreg:$0x0] =	wrdreg $0x60  }
0xae: {  	[dreg:$0x2] =	wrdreg s24  }
0xaf: {  	[dreg:$0x3] =	wrdreg s2  }
0xb0: {  	[dreg:$0x4] =	wrdreg $0x9  }
0xb1: {  	_ =	task.clear_ibuf [dreg:s7], $0x5FFFF;
	_ =	strace $0x9000004C  }
0xb2: {  	s29 =	simm.s32 $0x9;
	_ =	strace $0x8000004E  }
0xb3: {  	_ =	swait.ge [sflag:s29], $0x1  }
0xb4: {  	[sflag:s29] =	ssyncadd.s32 $0xFFFFFFFF  }
0xb5: {  	_ =	strace $0x9000004E  }
0xb6: {  	_ =	sfence  }
0xb7: {  	s30 =	sld [smem:$0x0];
	_ =	sdelay $0x2  }
0xb8: {  	s31 =	sshll.u32 s1, $0xD;
	s1 =	sshrl.u32 s1, $0x2  }
0xb9: {  	s3 =	sand.u32 $0x4000, s31;
	s1 =	sadd.s32 s1, s30  }
0xba: {  	s0 =	sor.u32 s3, s0;
	s1 =	sshll.u32 s1, $0x11  }
0xbb: {  	s0 =	sor.u32 s1, s0  }
0xbc: {  	s0 =	sadd.s32 $0x8F2B, s0  }
0xbd: {  	[sflag:s0] =	ssyncadd.remote.s32 $0x1  }
0xbe: {  	_ =	sfence.sel $0xFFFF  }
0xbf: {  	[dreg:$0x0] =	wrdreg $0xFFFFFFFF;
	(pc) =	sbr.abs _section_cstart, $3  }
0xc0: {  	[dreg:$0x1] =	wrdreg $0xFFFFFFFF  }
0xc1: {  	_ =	task.clear_ibuf [dreg:s7], $0x2FFFF;
	_ =	strace $0x9FFFFFFF  }
0xc2: {  	(tm) =	ssettm $0x7FFFFFFF  }
0xc3: {  	_ =	shalt  }
tec
execute0_lowered:
.L_overlay_start_1:
0x0: {  	(tag) =	ssettag $0x1  }
0x1: {  	s0 =	rddreg [dreg:$0x0];
	s1 =	srdreg.scid  }
0x2: {  	s10 =	stileid.u32;
	s2 =	rddreg [dreg:$0x1];
	s3 =	simm.s32 $0x0  }
0x3: {  	s14 =	simm.s32 $0x2080;
	s15 =	simm.s32 $0x2880;
	s16 =	simm.s32 $0x3080  }
0x4: {  	s17 =	simm.s32 $0x3880;
	s18 =	simm.s32 $0x4080;
	s19 =	simm.s32 $0x4880  }
0x5: {  	s20 =	simm.s32 $0x5080;
	s21 =	simm.s32 $0x5880;
	s22 =	simm.s32 $0x6080  }
0x6: {  	s23 =	simm.s32 $0x6880;
	s24 =	simm.s32 $0x7080;
	s28 =	simm.s32 $0x8880  }
0x7: {  	s29 =	simm.s32 $0x9080;
	s30 =	simm.s32 $0x9880;
	s31 =	simm.s32 $0xA080  }
0x8: {  	s1 =	sand.u32 $0x1, s1;
	s4 =	sshll.u32 s10, $0x1;
	[smem:$0x7FF] =	sst s3  }
0x9: {  	s7 =	sadd.s32 $0x61400, s0;
	s8 =	sadd.s32 $0x1400, s0;
	s0 =	sadd.s32 $0xC00, s0  }
0xa: {  	p0 =	slt.u32 s10, $0x8;
	s4 =	sor.u32 s1, s4;
	s1 =	ssub.s32 $0x2, s1  }
0xb: {  	_ =	strace $0x8000004D;
	s5 =	sshll.u32 s4, $0x8;
	s9 =	sshrl.u32 s1, $0x1  }
0xc: {  	s25 =	sshll.u32 s4, $0x5;
	s4 =	smul.u32 $0x6000, s4;
	s6 =	sadd.s32 $0xFFFFF000, s5  }
0xd: {  	s1 =	ssub.s32 s1, s9;
	s12 =	sadd.s32 s0, s25;
	s26 =	sadd.s32 $0xFFFFF080, s5  }
0xe: {  	s5 =	sadd.s32 $0x100, s2;
	s9 =	sor.u32 $0x10, s25;
	s25 =	simm.s32 $0x7880  }
0xf: {  	s6 =	sshrl.u32 s6, $0x3;
	s11 =	sshrl.u32 s26, $0x3;
	[dreg:$0x6] =	wrdreg s12  }
0x10: {  	s12 =	sadd.s32 $0x10, s12;
	s13 =	smul.u32 $0x300, s9;
	s0 =	sadd.s32 s0, s9  }
0x11: {  	s4 =	sadd.s32 s7, s4;
	s6 =	smul.u32 $0x300, s6;
	s12 =	smov.u32 @p0 s0  }
0x12: {  	s26 =	simm.s32 $0x8080;
	s11 =	smul.u32 $0x300, s11;
	[dreg:$0x4] =	wrdreg s12  }
0x13: {  	s12 =	simm.s32 $0x1080;
	s10 =	sadd.s32 s8, s6;
	s6 =	sadd.s32 $0x200, s2  }
0x14: {  	s8 =	sadd.s32 s8, s11;
	s11 =	simm.s32 $0x880;
	s10 =	smov.u32 @p0 s4  }
0x15: {  	v2 =	vlaneseq.u32;
	s4 =	sadd.s32 s7, s13;
	s7 =	smax.u32 s1, $0x1;
	s13 =	simm.s32 $0x1880  }
0x16: {  	vm0 =	vmmov $0xffff;
	v1 =	vshrl.u32 v2, $0x3;
	s1 =	simm.s32 $0xA880;
	[dreg:$0x3] =	wrdreg s10;
	s8 =	smov.u32 @p0 s4  }
0x17: {  	v0 =	vand.u32 $0x7, v2;
	v2 =	vor.u32 $0x8, v2;
	v1 =	vmul.u32 $0x8, v1;
	s4 =	simm.s32 $0x1;
	[dreg:$0x5] =	wrdreg s8;
	s8 =	simm.s32 $0x2  }
.LBB2_1:
0x18: {  	s10 =	rddreg [dreg:$0x6]  }
0x19: {  	[tilespmem:s3], [sflag:$0x2] =	stream.linear.gather [hbm4b:s10+s3], $0x80, $0x38;
	[tilespmem:$0x18080] =	vst v63  }
0x1a: {  	_ =	swait.ge [sflag:s8], $0x80  }
0x1b: {  	[sflag:s8] =	ssyncset.done $0x0  }
0x1c: {  	s0 =	simm.s32 $0x80;
	s9 =	rddreg [dreg:$0x3];
	[sflag:s8] =	ssyncadd.s32 $0xFFFFFF80  }
0x1d: {  	[tilespmem:s0], [sflag:$0x2] =	stream.linear.gather [hbm4b:s9+s3], $0x18000, $0x38;
	[tilespmem:$0x18080] =	vst v63  }
0x1e: {  	_ =	swait.ge [sflag:s8], $0x18000  }
0x1f: {  	[sflag:s8] =	ssyncset.done $0x0  }
0x20: {  	[sflag:s8] =	ssyncadd.s32 $0xFFFE8000  }
0x21: {  	v3 =	vld [tilespmem:$0x0];
	_ =	sdelay $0x4  }
0x22: {  	v4 =	vshrl.u32 v3, $0x3  }
0x23: {  	v4 =	vmul.u32 $0x30, v4  }
0x24: {  	v3 =	vand.u32 $0x7, v3  }
0x25: {  	v3 =	vor.u32 v3, v4  }
0x26: {  	v4 =	vperm.xlane v3, v0;
	_ =	sdelay $0x1  }
0x27: {  	v4 =	vadd.s32 v1, v4;
	_ =	sdelay $0x3  }
0x28: {  	v3 =	vperm.xlane v3, v2  }
0x29: {  	[hbm4b:s2+s3] =	stream.indirect_vreg.scatter [tilespmem:s0], [sflag:$0x1], $0x80, v4, vm0, $0xb8;
	[tilespmem:$0x18080] =	vst v63  }
0x2a: {  	v3 =	vadd.s32 v1, v3  }
0x2b: {  	[hbm4b:s5+s3] =	stream.indirect_vreg.scatter [tilespmem:s11], [sflag:$0x1], $0x80, v4, vm0, $0xb8;
	[tilespmem:$0x18080] =	vst v63  }
0x2c: {  	_ = 	snop  }
0x2d: {  	[hbm4b:s6+s3] =	stream.indirect_vreg.scatter [tilespmem:s12], [sflag:$0x1], $0x80, v4, vm0, $0xb8;
	[tilespmem:$0x18080] =	vst v63  }
0x2e: {  	_ = 	snop  }
0x2f: {  	[hbm4b:s2+s3] =	stream.indirect_vreg.scatter [tilespmem:s13], [sflag:$0x1], $0x80, v3, vm0, $0xb8;
	[tilespmem:$0x18080] =	vst v63  }
0x30: {  	_ = 	snop  }
0x31: {  	[hbm4b:s5+s3] =	stream.indirect_vreg.scatter [tilespmem:s14], [sflag:$0x1], $0x80, v3, vm0, $0xb8;
	[tilespmem:$0x18080] =	vst v63  }
0x32: {  	_ = 	snop  }
0x33: {  	[hbm4b:s6+s3] =	stream.indirect_vreg.scatter [tilespmem:s15], [sflag:$0x1], $0x80, v3, vm0, $0xb8;
	[tilespmem:$0x18080] =	vst v63  }
0x34: {  	v3 =	vld [tilespmem:$0x10];
	_ =	sdelay $0x4  }
0x35: {  	v49 =	vshrl.u32 v3, $0x3  }
0x36: {  	v4 =	vmul.u32 $0x30, v49  }
0x37: {  	v3 =	vand.u32 $0x7, v3  }
0x38: {  	v3 =	vor.u32 v3, v4  }
0x39: {  	v4 =	vperm.xlane v3, v0;
	_ =	sdelay $0x1  }
0x3a: {  	v4 =	vadd.s32 v1, v4;
	_ =	sdelay $0x3  }
0x3b: {  	v3 =	vperm.xlane v3, v2  }
0x3c: {  	[hbm4b:s2+s3] =	stream.indirect_vreg.scatter [tilespmem:s16], [sflag:$0x1], $0x80, v4, vm0, $0xb8;
	[tilespmem:$0x18080] =	vst v63  }
0x3d: {  	v3 =	vadd.s32 v1, v3  }
0x3e: {  	[hbm4b:s5+s3] =	stream.indirect_vreg.scatter [tilespmem:s17], [sflag:$0x1], $0x80, v4, vm0, $0xb8;
	[tilespmem:$0x18080] =	vst v63  }
0x3f: {  	_ = 	snop  }
0x40: {  	[hbm4b:s6+s3] =	stream.indirect_vreg.scatter [tilespmem:s18], [sflag:$0x1], $0x80, v4, vm0, $0xb8;
	[tilespmem:$0x18080] =	vst v63  }
0x41: {  	_ = 	snop  }
0x42: {  	[hbm4b:s2+s3] =	stream.indirect_vreg.scatter [tilespmem:s19], [sflag:$0x1], $0x80, v3, vm0, $0xb8;
	[tilespmem:$0x18080] =	vst v63  }
0x43: {  	_ = 	snop  }
0x44: {  	[hbm4b:s5+s3] =	stream.indirect_vreg.scatter [tilespmem:s20], [sflag:$0x1], $0x80, v3, vm0, $0xb8;
	[tilespmem:$0x18080] =	vst v63  }
0x45: {  	_ = 	snop  }
0x46: {  	[hbm4b:s6+s3] =	stream.indirect_vreg.scatter [tilespmem:s21], [sflag:$0x1], $0x80, v3, vm0, $0xb8;
	[tilespmem:$0x18080] =	vst v63  }
0x47: {  	v3 =	vld [tilespmem:$0x20];
	_ =	sdelay $0x4  }
0x48: {  	v50 =	vshrl.u32 v3, $0x3  }
0x49: {  	v4 =	vmul.u32 $0x30, v50  }
0x4a: {  	v3 =	vand.u32 $0x7, v3  }
0x4b: {  	v3 =	vor.u32 v3, v4  }
0x4c: {  	v4 =	vperm.xlane v3, v0;
	_ =	sdelay $0x1  }
0x4d: {  	v4 =	vadd.s32 v1, v4;
	_ =	sdelay $0x3  }
0x4e: {  	v3 =	vperm.xlane v3, v2  }
0x4f: {  	[hbm4b:s2+s3] =	stream.indirect_vreg.scatter [tilespmem:s22], [sflag:$0x1], $0x80, v4, vm0, $0xb8;
	[tilespmem:$0x18080] =	vst v63  }
0x50: {  	v3 =	vadd.s32 v1, v3  }
0x51: {  	[hbm4b:s5+s3] =	stream.indirect_vreg.scatter [tilespmem:s23], [sflag:$0x1], $0x80, v4, vm0, $0xb8;
	[tilespmem:$0x18080] =	vst v63  }
0x52: {  	_ = 	snop  }
0x53: {  	[hbm4b:s6+s3] =	stream.indirect_vreg.scatter [tilespmem:s24], [sflag:$0x1], $0x80, v4, vm0, $0xb8;
	[tilespmem:$0x18080] =	vst v63  }
0x54: {  	_ = 	snop  }
0x55: {  	[hbm4b:s2+s3] =	stream.indirect_vreg.scatter [tilespmem:s25], [sflag:$0x1], $0x80, v3, vm0, $0xb8;
	[tilespmem:$0x18080] =	vst v63  }
0x56: {  	_ = 	snop  }
0x57: {  	[hbm4b:s5+s3] =	stream.indirect_vreg.scatter [tilespmem:s26], [sflag:$0x1], $0x80, v3, vm0, $0xb8;
	[tilespmem:$0x18080] =	vst v63  }
0x58: {  	_ = 	snop  }
0x59: {  	[hbm4b:s6+s3] =	stream.indirect_vreg.scatter [tilespmem:s28], [sflag:$0x1], $0x80, v3, vm0, $0xb8;
	[tilespmem:$0x18080] =	vst v63  }
0x5a: {  	v3 =	vld [tilespmem:$0x30];
	_ =	sdelay $0x4  }
0x5b: {  	v51 =	vshrl.u32 v3, $0x3  }
0x5c: {  	v4 =	vmul.u32 $0x30, v51  }
0x5d: {  	v3 =	vand.u32 $0x7, v3  }
0x5e: {  	v3 =	vor.u32 v3, v4  }
0x5f: {  	v4 =	vperm.xlane v3, v0;
	_ =	sdelay $0x1  }
0x60: {  	v4 =	vadd.s32 v1, v4;
	_ =	sdelay $0x3  }
0x61: {  	v3 =	vperm.xlane v3, v2  }
0x62: {  	[hbm4b:s2+s3] =	stream.indirect_vreg.scatter [tilespmem:s29], [sflag:$0x1], $0x80, v4, vm0, $0xb8;
	[tilespmem:$0x18080] =	vst v63  }
0x63: {  	v3 =	vadd.s32 v1, v3  }
0x64: {  	[hbm4b:s5+s3] =	stream.indirect_vreg.scatter [tilespmem:s30], [sflag:$0x1], $0x80, v4, vm0, $0xb8;
	[tilespmem:$0x18080] =	vst v63  }
0x65: {  	_ = 	snop  }
0x66: {  	[hbm4b:s6+s3] =	stream.indirect_vreg.scatter [tilespmem:s31], [sflag:$0x1], $0x80, v4, vm0, $0xb8;
	[tilespmem:$0x18080] =	vst v63  }
0x67: {  	_ = 	snop  }
0x68: {  	[hbm4b:s2+s3] =	stream.indirect_vreg.scatter [tilespmem:s1], [sflag:$0x1], $0x80, v3, vm0, $0xb8;
	[tilespmem:$0x18080] =	vst v63  }
0x69: {  	s9 =	simm.s32 $0xB080  }
0x6a: {  	[hbm4b:s5+s3] =	stream.indirect_vreg.scatter [tilespmem:s9], [sflag:$0x1], $0x80, v3, vm0, $0xb8;
	[tilespmem:$0x18080] =	vst v63  }
0x6b: {  	s9 =	simm.s32 $0xB880  }
0x6c: {  	[hbm4b:s6+s3] =	stream.indirect_vreg.scatter [tilespmem:s9], [sflag:$0x1], $0x80, v3, vm0, $0xb8;
	[tilespmem:$0x18080] =	vst v63  }
0x6d: {  	v3 =	vld [tilespmem:$0x40];
	_ =	sdelay $0x4  }
0x6e: {  	v52 =	vshrl.u32 v3, $0x3  }
0x6f: {  	v4 =	vmul.u32 $0x30, v52  }
0x70: {  	v3 =	vand.u32 $0x7, v3  }
0x71: {  	v3 =	vor.u32 v3, v4  }
0x72: {  	v4 =	vperm.xlane v3, v0;
	_ =	sdelay $0x1  }
0x73: {  	v4 =	vadd.s32 v1, v4;
	_ =	sdelay $0x3  }
0x74: {  	s10 =	simm.s32 $0xC080;
	v3 =	vperm.xlane v3, v2  }
0x75: {  	[hbm4b:s2+s3] =	stream.indirect_vreg.scatter [tilespmem:s10], [sflag:$0x1], $0x80, v4, vm0, $0xb8;
	[tilespmem:$0x18080] =	vst v63  }
0x76: {  	v3 =	vadd.s32 v1, v3;
	s10 =	simm.s32 $0xC880  }
0x77: {  	[hbm4b:s5+s3] =	stream.indirect_vreg.scatter [tilespmem:s10], [sflag:$0x1], $0x80, v4, vm0, $0xb8;
	[tilespmem:$0x18080] =	vst v63  }
0x78: {  	s10 =	simm.s32 $0xD080  }
0x79: {  	[hbm4b:s6+s3] =	stream.indirect_vreg.scatter [tilespmem:s10], [sflag:$0x1], $0x80, v4, vm0, $0xb8;
	[tilespmem:$0x18080] =	vst v63  }
0x7a: {  	s10 =	simm.s32 $0xD880  }
0x7b: {  	[hbm4b:s2+s3] =	stream.indirect_vreg.scatter [tilespmem:s10], [sflag:$0x1], $0x80, v3, vm0, $0xb8;
	[tilespmem:$0x18080] =	vst v63  }
0x7c: {  	s10 =	simm.s32 $0xE080  }
0x7d: {  	[hbm4b:s5+s3] =	stream.indirect_vreg.scatter [tilespmem:s10], [sflag:$0x1], $0x80, v3, vm0, $0xb8;
	[tilespmem:$0x18080] =	vst v63  }
0x7e: {  	s10 =	simm.s32 $0xE880  }
0x7f: {  	[hbm4b:s6+s3] =	stream.indirect_vreg.scatter [tilespmem:s10], [sflag:$0x1], $0x80, v3, vm0, $0xb8;
	[tilespmem:$0x18080] =	vst v63  }
0x80: {  	v3 =	vld [tilespmem:$0x50];
	_ =	sdelay $0x4  }
0x81: {  	v53 =	vshrl.u32 v3, $0x3  }
0x82: {  	v4 =	vmul.u32 $0x30, v53  }
0x83: {  	v3 =	vand.u32 $0x7, v3  }
0x84: {  	v3 =	vor.u32 v3, v4  }
0x85: {  	v4 =	vperm.xlane v3, v0;
	_ =	sdelay $0x1  }
0x86: {  	v4 =	vadd.s32 v1, v4;
	_ =	sdelay $0x3  }
0x87: {  	s10 =	simm.s32 $0xF080;
	v3 =	vperm.xlane v3, v2  }
0x88: {  	[hbm4b:s2+s3] =	stream.indirect_vreg.scatter [tilespmem:s10], [sflag:$0x1], $0x80, v4, vm0, $0xb8;
	[tilespmem:$0x18080] =	vst v63  }
0x89: {  	v3 =	vadd.s32 v1, v3;
	s10 =	simm.s32 $0xF880  }
0x8a: {  	[hbm4b:s5+s3] =	stream.indirect_vreg.scatter [tilespmem:s10], [sflag:$0x1], $0x80, v4, vm0, $0xb8;
	[tilespmem:$0x18080] =	vst v63  }
0x8b: {  	s10 =	simm.s32 $0x10080  }
0x8c: {  	[hbm4b:s6+s3] =	stream.indirect_vreg.scatter [tilespmem:s10], [sflag:$0x1], $0x80, v4, vm0, $0xb8;
	[tilespmem:$0x18080] =	vst v63  }
0x8d: {  	s10 =	simm.s32 $0x10880  }
0x8e: {  	[hbm4b:s2+s3] =	stream.indirect_vreg.scatter [tilespmem:s10], [sflag:$0x1], $0x80, v3, vm0, $0xb8;
	[tilespmem:$0x18080] =	vst v63  }
0x8f: {  	s10 =	simm.s32 $0x11080  }
0x90: {  	[hbm4b:s5+s3] =	stream.indirect_vreg.scatter [tilespmem:s10], [sflag:$0x1], $0x80, v3, vm0, $0xb8;
	[tilespmem:$0x18080] =	vst v63  }
0x91: {  	s10 =	simm.s32 $0x11880  }
0x92: {  	[hbm4b:s6+s3] =	stream.indirect_vreg.scatter [tilespmem:s10], [sflag:$0x1], $0x80, v3, vm0, $0xb8;
	[tilespmem:$0x18080] =	vst v63  }
0x93: {  	v3 =	vld [tilespmem:$0x60];
	_ =	sdelay $0x4  }
0x94: {  	v54 =	vshrl.u32 v3, $0x3  }
0x95: {  	v4 =	vmul.u32 $0x30, v54  }
0x96: {  	v3 =	vand.u32 $0x7, v3  }
0x97: {  	v3 =	vor.u32 v3, v4  }
0x98: {  	v4 =	vperm.xlane v3, v0;
	_ =	sdelay $0x1  }
0x99: {  	v4 =	vadd.s32 v1, v4;
	_ =	sdelay $0x3  }
0x9a: {  	s10 =	simm.s32 $0x12080;
	v3 =	vperm.xlane v3, v2  }
0x9b: {  	[hbm4b:s2+s3] =	stream.indirect_vreg.scatter [tilespmem:s10], [sflag:$0x1], $0x80, v4, vm0, $0xb8;
	[tilespmem:$0x18080] =	vst v63  }
0x9c: {  	v3 =	vadd.s32 v1, v3;
	s10 =	simm.s32 $0x12880  }
0x9d: {  	[hbm4b:s5+s3] =	stream.indirect_vreg.scatter [tilespmem:s10], [sflag:$0x1], $0x80, v4, vm0, $0xb8;
	[tilespmem:$0x18080] =	vst v63  }
0x9e: {  	s10 =	simm.s32 $0x13080  }
0x9f: {  	[hbm4b:s6+s3] =	stream.indirect_vreg.scatter [tilespmem:s10], [sflag:$0x1], $0x80, v4, vm0, $0xb8;
	[tilespmem:$0x18080] =	vst v63  }
0xa0: {  	s10 =	simm.s32 $0x13880  }
0xa1: {  	[hbm4b:s2+s3] =	stream.indirect_vreg.scatter [tilespmem:s10], [sflag:$0x1], $0x80, v3, vm0, $0xb8;
	[tilespmem:$0x18080] =	vst v63  }
0xa2: {  	s10 =	simm.s32 $0x14080  }
0xa3: {  	[hbm4b:s5+s3] =	stream.indirect_vreg.scatter [tilespmem:s10], [sflag:$0x1], $0x80, v3, vm0, $0xb8;
	[tilespmem:$0x18080] =	vst v63  }
0xa4: {  	s10 =	simm.s32 $0x14880  }
0xa5: {  	[hbm4b:s6+s3] =	stream.indirect_vreg.scatter [tilespmem:s10], [sflag:$0x1], $0x80, v3, vm0, $0xb8;
	[tilespmem:$0x18080] =	vst v63  }
0xa6: {  	v3 =	vld [tilespmem:$0x70];
	_ =	sdelay $0x4  }
0xa7: {  	v55 =	vshrl.u32 v3, $0x3  }
0xa8: {  	v4 =	vmul.u32 $0x30, v55  }
0xa9: {  	v3 =	vand.u32 $0x7, v3  }
0xaa: {  	v3 =	vor.u32 v3, v4  }
0xab: {  	v4 =	vperm.xlane v3, v0;
	_ =	sdelay $0x1  }
0xac: {  	v4 =	vadd.s32 v1, v4;
	_ =	sdelay $0x3  }
0xad: {  	s10 =	simm.s32 $0x15080;
	v3 =	vperm.xlane v3, v2  }
0xae: {  	[hbm4b:s2+s3] =	stream.indirect_vreg.scatter [tilespmem:s10], [sflag:$0x1], $0x80, v4, vm0, $0xb8;
	[tilespmem:$0x18080] =	vst v63  }
0xaf: {  	v3 =	vadd.s32 v1, v3;
	s10 =	simm.s32 $0x15880  }
0xb0: {  	[hbm4b:s5+s3] =	stream.indirect_vreg.scatter [tilespmem:s10], [sflag:$0x1], $0x80, v4, vm0, $0xb8;
	[tilespmem:$0x18080] =	vst v63  }
0xb1: {  	s10 =	simm.s32 $0x16080  }
0xb2: {  	[hbm4b:s6+s3] =	stream.indirect_vreg.scatter [tilespmem:s10], [sflag:$0x1], $0x80, v4, vm0, $0xb8;
	[tilespmem:$0x18080] =	vst v63  }
0xb3: {  	s10 =	simm.s32 $0x16880  }
0xb4: {  	[hbm4b:s2+s3] =	stream.indirect_vreg.scatter [tilespmem:s10], [sflag:$0x1], $0x80, v3, vm0, $0xb8;
	[tilespmem:$0x18080] =	vst v63  }
0xb5: {  	s10 =	simm.s32 $0x17080  }
0xb6: {  	[hbm4b:s5+s3] =	stream.indirect_vreg.scatter [tilespmem:s10], [sflag:$0x1], $0x80, v3, vm0, $0xb8;
	[tilespmem:$0x18080] =	vst v63  }
0xb7: {  	s10 =	simm.s32 $0x17880  }
0xb8: {  	[hbm4b:s6+s3] =	stream.indirect_vreg.scatter [tilespmem:s10], [sflag:$0x1], $0x80, v3, vm0, $0xb8;
	[tilespmem:$0x18080] =	vst v63  }
0xb9: {  	_ =	swait.ge [sflag:s4], $0x18000  }
0xba: {  	[sflag:s4] =	ssyncset.done $0x0  }
0xbb: {  	s10 =	rddreg [dreg:$0x4];
	[sflag:s4] =	ssyncadd.s32 $0xFFFE8000  }
0xbc: {  	[tilespmem:s3], [sflag:$0x2] =	stream.linear.gather [hbm4b:s10+s3], $0x80, $0x38;
	[tilespmem:$0x18080] =	vst v63  }
0xbd: {  	_ =	swait.ge [sflag:s8], $0x80  }
0xbe: {  	[sflag:s8] =	ssyncset.done $0x0  }
0xbf: {  	s10 =	rddreg [dreg:$0x5];
	[sflag:s8] =	ssyncadd.s32 $0xFFFFFF80  }
0xc0: {  	[tilespmem:s0], [sflag:$0x2] =	stream.linear.gather [hbm4b:s10+s3], $0x18000, $0x38;
	[tilespmem:$0x18080] =	vst v63  }
0xc1: {  	_ =	swait.ge [sflag:s8], $0x18000  }
0xc2: {  	[sflag:s8] =	ssyncset.done $0x0  }
0xc3: {  	[sflag:s8] =	ssyncadd.s32 $0xFFFE8000  }
0xc4: {  	v3 =	vld [tilespmem:$0x0];
	_ =	sdelay $0x4  }
0xc5: {  	v56 =	vshrl.u32 v3, $0x3  }
0xc6: {  	v4 =	vmul.u32 $0x30, v56  }
0xc7: {  	v3 =	vand.u32 $0x7, v3  }
0xc8: {  	v3 =	vor.u32 v3, v4  }
0xc9: {  	v4 =	vperm.xlane v3, v0;
	_ =	sdelay $0x1  }
0xca: {  	v4 =	vadd.s32 v1, v4;
	_ =	sdelay $0x3  }
0xcb: {  	v3 =	vperm.xlane v3, v2  }
0xcc: {  	[hbm4b:s2+s3] =	stream.indirect_vreg.scatter [tilespmem:s0], [sflag:$0x1], $0x80, v4, vm0, $0xb8;
	[tilespmem:$0x18080] =	vst v63  }
0xcd: {  	v3 =	vadd.s32 v1, v3  }
0xce: {  	[hbm4b:s5+s3] =	stream.indirect_vreg.scatter [tilespmem:s11], [sflag:$0x1], $0x80, v4, vm0, $0xb8;
	[tilespmem:$0x18080] =	vst v63  }
0xcf: {  	_ = 	snop  }
0xd0: {  	[hbm4b:s6+s3] =	stream.indirect_vreg.scatter [tilespmem:s12], [sflag:$0x1], $0x80, v4, vm0, $0xb8;
	[tilespmem:$0x18080] =	vst v63  }
0xd1: {  	_ = 	snop  }
0xd2: {  	[hbm4b:s2+s3] =	stream.indirect_vreg.scatter [tilespmem:s13], [sflag:$0x1], $0x80, v3, vm0, $0xb8;
	[tilespmem:$0x18080] =	vst v63  }
0xd3: {  	_ = 	snop  }
0xd4: {  	[hbm4b:s5+s3] =	stream.indirect_vreg.scatter [tilespmem:s14], [sflag:$0x1], $0x80, v3, vm0, $0xb8;
	[tilespmem:$0x18080] =	vst v63  }
0xd5: {  	_ = 	snop  }
0xd6: {  	[hbm4b:s6+s3] =	stream.indirect_vreg.scatter [tilespmem:s15], [sflag:$0x1], $0x80, v3, vm0, $0xb8;
	[tilespmem:$0x18080] =	vst v63  }
0xd7: {  	v3 =	vld [tilespmem:$0x10];
	_ =	sdelay $0x4  }
0xd8: {  	v57 =	vshrl.u32 v3, $0x3  }
0xd9: {  	v4 =	vmul.u32 $0x30, v57  }
0xda: {  	v3 =	vand.u32 $0x7, v3  }
0xdb: {  	v3 =	vor.u32 v3, v4  }
0xdc: {  	v4 =	vperm.xlane v3, v0;
	_ =	sdelay $0x1  }
0xdd: {  	v4 =	vadd.s32 v1, v4;
	_ =	sdelay $0x3  }
0xde: {  	v3 =	vperm.xlane v3, v2  }
0xdf: {  	[hbm4b:s2+s3] =	stream.indirect_vreg.scatter [tilespmem:s16], [sflag:$0x1], $0x80, v4, vm0, $0xb8;
	[tilespmem:$0x18080] =	vst v63  }
0xe0: {  	v3 =	vadd.s32 v1, v3  }
0xe1: {  	[hbm4b:s5+s3] =	stream.indirect_vreg.scatter [tilespmem:s17], [sflag:$0x1], $0x80, v4, vm0, $0xb8;
	[tilespmem:$0x18080] =	vst v63  }
0xe2: {  	_ = 	snop  }
0xe3: {  	[hbm4b:s6+s3] =	stream.indirect_vreg.scatter [tilespmem:s18], [sflag:$0x1], $0x80, v4, vm0, $0xb8;
	[tilespmem:$0x18080] =	vst v63  }
0xe4: {  	_ = 	snop  }
0xe5: {  	[hbm4b:s2+s3] =	stream.indirect_vreg.scatter [tilespmem:s19], [sflag:$0x1], $0x80, v3, vm0, $0xb8;
	[tilespmem:$0x18080] =	vst v63  }
0xe6: {  	_ = 	snop  }
0xe7: {  	[hbm4b:s5+s3] =	stream.indirect_vreg.scatter [tilespmem:s20], [sflag:$0x1], $0x80, v3, vm0, $0xb8;
	[tilespmem:$0x18080] =	vst v63  }
0xe8: {  	_ = 	snop  }
0xe9: {  	[hbm4b:s6+s3] =	stream.indirect_vreg.scatter [tilespmem:s21], [sflag:$0x1], $0x80, v3, vm0, $0xb8;
	[tilespmem:$0x18080] =	vst v63  }
0xea: {  	v3 =	vld [tilespmem:$0x20];
	_ =	sdelay $0x4  }
0xeb: {  	v58 =	vshrl.u32 v3, $0x3  }
0xec: {  	v4 =	vmul.u32 $0x30, v58  }
0xed: {  	v3 =	vand.u32 $0x7, v3  }
0xee: {  	v3 =	vor.u32 v3, v4  }
0xef: {  	v4 =	vperm.xlane v3, v0;
	_ =	sdelay $0x1  }
0xf0: {  	v4 =	vadd.s32 v1, v4;
	_ =	sdelay $0x3  }
0xf1: {  	v3 =	vperm.xlane v3, v2  }
0xf2: {  	[hbm4b:s2+s3] =	stream.indirect_vreg.scatter [tilespmem:s22], [sflag:$0x1], $0x80, v4, vm0, $0xb8;
	[tilespmem:$0x18080] =	vst v63  }
0xf3: {  	v3 =	vadd.s32 v1, v3  }
0xf4: {  	[hbm4b:s5+s3] =	stream.indirect_vreg.scatter [tilespmem:s23], [sflag:$0x1], $0x80, v4, vm0, $0xb8;
	[tilespmem:$0x18080] =	vst v63  }
0xf5: {  	_ = 	snop  }
0xf6: {  	[hbm4b:s6+s3] =	stream.indirect_vreg.scatter [tilespmem:s24], [sflag:$0x1], $0x80, v4, vm0, $0xb8;
	[tilespmem:$0x18080] =	vst v63  }
0xf7: {  	_ = 	snop  }
0xf8: {  	[hbm4b:s2+s3] =	stream.indirect_vreg.scatter [tilespmem:s25], [sflag:$0x1], $0x80, v3, vm0, $0xb8;
	[tilespmem:$0x18080] =	vst v63  }
0xf9: {  	_ = 	snop  }
0xfa: {  	[hbm4b:s5+s3] =	stream.indirect_vreg.scatter [tilespmem:s26], [sflag:$0x1], $0x80, v3, vm0, $0xb8;
	[tilespmem:$0x18080] =	vst v63  }
0xfb: {  	_ = 	snop  }
0xfc: {  	[hbm4b:s6+s3] =	stream.indirect_vreg.scatter [tilespmem:s28], [sflag:$0x1], $0x80, v3, vm0, $0xb8;
	[tilespmem:$0x18080] =	vst v63  }
0xfd: {  	v3 =	vld [tilespmem:$0x30];
	_ =	sdelay $0x4  }
0xfe: {  	v59 =	vshrl.u32 v3, $0x3  }
0xff: {  	v4 =	vmul.u32 $0x30, v59  }
0x100: {  	v3 =	vand.u32 $0x7, v3  }
0x101: {  	v3 =	vor.u32 v3, v4  }
0x102: {  	v4 =	vperm.xlane v3, v0;
	_ =	sdelay $0x1  }
0x103: {  	v4 =	vadd.s32 v1, v4;
	_ =	sdelay $0x3  }
0x104: {  	v3 =	vperm.xlane v3, v2  }
0x105: {  	[hbm4b:s2+s3] =	stream.indirect_vreg.scatter [tilespmem:s29], [sflag:$0x1], $0x80, v4, vm0, $0xb8;
	[tilespmem:$0x18080] =	vst v63  }
0x106: {  	v3 =	vadd.s32 v1, v3  }
0x107: {  	[hbm4b:s5+s3] =	stream.indirect_vreg.scatter [tilespmem:s30], [sflag:$0x1], $0x80, v4, vm0, $0xb8;
	[tilespmem:$0x18080] =	vst v63  }
0x108: {  	_ = 	snop  }
0x109: {  	[hbm4b:s6+s3] =	stream.indirect_vreg.scatter [tilespmem:s31], [sflag:$0x1], $0x80, v4, vm0, $0xb8;
	[tilespmem:$0x18080] =	vst v63  }
0x10a: {  	_ = 	snop  }
0x10b: {  	[hbm4b:s2+s3] =	stream.indirect_vreg.scatter [tilespmem:s1], [sflag:$0x1], $0x80, v3, vm0, $0xb8;
	[tilespmem:$0x18080] =	vst v63  }
0x10c: {  	s10 =	simm.s32 $0xB080  }
0x10d: {  	[hbm4b:s5+s3] =	stream.indirect_vreg.scatter [tilespmem:s10], [sflag:$0x1], $0x80, v3, vm0, $0xb8;
	[tilespmem:$0x18080] =	vst v63  }
0x10e: {  	_ = 	snop  }
0x10f: {  	[hbm4b:s6+s3] =	stream.indirect_vreg.scatter [tilespmem:s9], [sflag:$0x1], $0x80, v3, vm0, $0xb8;
	[tilespmem:$0x18080] =	vst v63  }
0x110: {  	v3 =	vld [tilespmem:$0x40];
	_ =	sdelay $0x4  }
0x111: {  	v60 =	vshrl.u32 v3, $0x3  }
0x112: {  	v4 =	vmul.u32 $0x30, v60  }
0x113: {  	v3 =	vand.u32 $0x7, v3  }
0x114: {  	v3 =	vor.u32 v3, v4  }
0x115: {  	v4 =	vperm.xlane v3, v0;
	_ =	sdelay $0x1  }
0x116: {  	v4 =	vadd.s32 v1, v4;
	_ =	sdelay $0x3  }
0x117: {  	s9 =	simm.s32 $0xC080;
	v3 =	vperm.xlane v3, v2  }
0x118: {  	[hbm4b:s2+s3] =	stream.indirect_vreg.scatter [tilespmem:s9], [sflag:$0x1], $0x80, v4, vm0, $0xb8;
	[tilespmem:$0x18080] =	vst v63  }
0x119: {  	s10 =	simm.s32 $0xC880;
	v3 =	vadd.s32 v1, v3  }
0x11a: {  	[hbm4b:s5+s3] =	stream.indirect_vreg.scatter [tilespmem:s10], [sflag:$0x1], $0x80, v4, vm0, $0xb8;
	[tilespmem:$0x18080] =	vst v63  }
0x11b: {  	s9 =	simm.s32 $0xD080  }
0x11c: {  	[hbm4b:s6+s3] =	stream.indirect_vreg.scatter [tilespmem:s9], [sflag:$0x1], $0x80, v4, vm0, $0xb8;
	[tilespmem:$0x18080] =	vst v63  }
0x11d: {  	s10 =	simm.s32 $0xD880  }
0x11e: {  	[hbm4b:s2+s3] =	stream.indirect_vreg.scatter [tilespmem:s10], [sflag:$0x1], $0x80, v3, vm0, $0xb8;
	[tilespmem:$0x18080] =	vst v63  }
0x11f: {  	s9 =	simm.s32 $0xE080  }
0x120: {  	[hbm4b:s5+s3] =	stream.indirect_vreg.scatter [tilespmem:s9], [sflag:$0x1], $0x80, v3, vm0, $0xb8;
	[tilespmem:$0x18080] =	vst v63  }
0x121: {  	s10 =	simm.s32 $0xE880  }
0x122: {  	[hbm4b:s6+s3] =	stream.indirect_vreg.scatter [tilespmem:s10], [sflag:$0x1], $0x80, v3, vm0, $0xb8;
	[tilespmem:$0x18080] =	vst v63  }
0x123: {  	v3 =	vld [tilespmem:$0x50];
	_ =	sdelay $0x4  }
0x124: {  	v61 =	vshrl.u32 v3, $0x3  }
0x125: {  	v4 =	vmul.u32 $0x30, v61  }
0x126: {  	v3 =	vand.u32 $0x7, v3  }
0x127: {  	v3 =	vor.u32 v3, v4  }
0x128: {  	v4 =	vperm.xlane v3, v0;
	_ =	sdelay $0x1  }
0x129: {  	v4 =	vadd.s32 v1, v4;
	_ =	sdelay $0x3  }
0x12a: {  	s9 =	simm.s32 $0xF080;
	v3 =	vperm.xlane v3, v2  }
0x12b: {  	[hbm4b:s2+s3] =	stream.indirect_vreg.scatter [tilespmem:s9], [sflag:$0x1], $0x80, v4, vm0, $0xb8;
	[tilespmem:$0x18080] =	vst v63  }
0x12c: {  	s10 =	simm.s32 $0xF880;
	v3 =	vadd.s32 v1, v3  }
0x12d: {  	[hbm4b:s5+s3] =	stream.indirect_vreg.scatter [tilespmem:s10], [sflag:$0x1], $0x80, v4, vm0, $0xb8;
	[tilespmem:$0x18080] =	vst v63  }
0x12e: {  	s9 =	simm.s32 $0x10080  }
0x12f: {  	[hbm4b:s6+s3] =	stream.indirect_vreg.scatter [tilespmem:s9], [sflag:$0x1], $0x80, v4, vm0, $0xb8;
	[tilespmem:$0x18080] =	vst v63  }
0x130: {  	s10 =	simm.s32 $0x10880  }
0x131: {  	[hbm4b:s2+s3] =	stream.indirect_vreg.scatter [tilespmem:s10], [sflag:$0x1], $0x80, v3, vm0, $0xb8;
	[tilespmem:$0x18080] =	vst v63  }
0x132: {  	s9 =	simm.s32 $0x11080  }
0x133: {  	[hbm4b:s5+s3] =	stream.indirect_vreg.scatter [tilespmem:s9], [sflag:$0x1], $0x80, v3, vm0, $0xb8;
	[tilespmem:$0x18080] =	vst v63  }
0x134: {  	s10 =	simm.s32 $0x11880  }
0x135: {  	[hbm4b:s6+s3] =	stream.indirect_vreg.scatter [tilespmem:s10], [sflag:$0x1], $0x80, v3, vm0, $0xb8;
	[tilespmem:$0x18080] =	vst v63  }
0x136: {  	v3 =	vld [tilespmem:$0x60];
	_ =	sdelay $0x4  }
0x137: {  	v62 =	vshrl.u32 v3, $0x3  }
0x138: {  	v4 =	vmul.u32 $0x30, v62  }
0x139: {  	v3 =	vand.u32 $0x7, v3  }
0x13a: {  	v3 =	vor.u32 v3, v4  }
0x13b: {  	v4 =	vperm.xlane v3, v0;
	_ =	sdelay $0x1  }
0x13c: {  	v4 =	vadd.s32 v1, v4;
	_ =	sdelay $0x3  }
0x13d: {  	s9 =	simm.s32 $0x12080;
	v3 =	vperm.xlane v3, v2  }
0x13e: {  	[hbm4b:s2+s3] =	stream.indirect_vreg.scatter [tilespmem:s9], [sflag:$0x1], $0x80, v4, vm0, $0xb8;
	[tilespmem:$0x18080] =	vst v63  }
0x13f: {  	s10 =	simm.s32 $0x12880;
	v3 =	vadd.s32 v1, v3  }
0x140: {  	[hbm4b:s5+s3] =	stream.indirect_vreg.scatter [tilespmem:s10], [sflag:$0x1], $0x80, v4, vm0, $0xb8;
	[tilespmem:$0x18080] =	vst v63  }
0x141: {  	s9 =	simm.s32 $0x13080  }
0x142: {  	[hbm4b:s6+s3] =	stream.indirect_vreg.scatter [tilespmem:s9], [sflag:$0x1], $0x80, v4, vm0, $0xb8;
	[tilespmem:$0x18080] =	vst v63  }
0x143: {  	s10 =	simm.s32 $0x13880  }
0x144: {  	[hbm4b:s2+s3] =	stream.indirect_vreg.scatter [tilespmem:s10], [sflag:$0x1], $0x80, v3, vm0, $0xb8;
	[tilespmem:$0x18080] =	vst v63  }
0x145: {  	s9 =	simm.s32 $0x14080  }
0x146: {  	[hbm4b:s5+s3] =	stream.indirect_vreg.scatter [tilespmem:s9], [sflag:$0x1], $0x80, v3, vm0, $0xb8;
	[tilespmem:$0x18080] =	vst v63  }
0x147: {  	s10 =	simm.s32 $0x14880  }
0x148: {  	[hbm4b:s6+s3] =	stream.indirect_vreg.scatter [tilespmem:s10], [sflag:$0x1], $0x80, v3, vm0, $0xb8;
	[tilespmem:$0x18080] =	vst v63  }
0x149: {  	v3 =	vld [tilespmem:$0x70];
	_ =	sdelay $0x4  }
0x14a: {  	v63 =	vshrl.u32 v3, $0x3  }
0x14b: {  	v4 =	vmul.u32 $0x30, v63  }
0x14c: {  	v3 =	vand.u32 $0x7, v3  }
0x14d: {  	v3 =	vor.u32 v3, v4  }
0x14e: {  	v4 =	vperm.xlane v3, v0;
	_ =	sdelay $0x1  }
0x14f: {  	v4 =	vadd.s32 v1, v4;
	_ =	sdelay $0x3  }
0x150: {  	s9 =	simm.s32 $0x15080;
	v3 =	vperm.xlane v3, v2  }
0x151: {  	[hbm4b:s2+s3] =	stream.indirect_vreg.scatter [tilespmem:s9], [sflag:$0x1], $0x80, v4, vm0, $0xb8;
	[tilespmem:$0x18080] =	vst v63  }
0x152: {  	s10 =	simm.s32 $0x15880;
	v3 =	vadd.s32 v1, v3  }
0x153: {  	[hbm4b:s5+s3] =	stream.indirect_vreg.scatter [tilespmem:s10], [sflag:$0x1], $0x80, v4, vm0, $0xb8;
	[tilespmem:$0x18080] =	vst v63  }
0x154: {  	s9 =	simm.s32 $0x16080  }
0x155: {  	[hbm4b:s6+s3] =	stream.indirect_vreg.scatter [tilespmem:s9], [sflag:$0x1], $0x80, v4, vm0, $0xb8;
	[tilespmem:$0x18080] =	vst v63  }
0x156: {  	s10 =	simm.s32 $0x16880  }
0x157: {  	[hbm4b:s2+s3] =	stream.indirect_vreg.scatter [tilespmem:s10], [sflag:$0x1], $0x80, v3, vm0, $0xb8;
	[tilespmem:$0x18080] =	vst v63  }
0x158: {  	p0 =	sne.s32 s7, $0x1;
	s9 =	simm.s32 $0x17080  }
0x159: {  	[hbm4b:s5+s3] =	stream.indirect_vreg.scatter [tilespmem:s9], [sflag:$0x1], $0x80, v3, vm0, $0xb8;
	[tilespmem:$0x18080] =	vst v63  }
.Ltmp0:
0x15a: {  	s10 =	simm.s32 $0x17880;
	(pc) =	sbr.rel @p0 .LBB2_1-.Ltmp0, $4  }
0x15b: {  	[hbm4b:s6+s3] =	stream.indirect_vreg.scatter [tilespmem:s10], [sflag:$0x1], $0x80, v3, vm0, $0xb8;
	[tilespmem:$0x18080] =	vst v63  }
0x15c: {  	_ =	swait.ge [sflag:s4], $0x18000  }
0x15d: {  	[sflag:s4] =	ssyncset.done $0x0  }
0x15e: {  	s7 =	sadd.s32 $0xFFFFFFFF, s7;
	[sflag:s4] =	ssyncadd.s32 $0xFFFE8000  }
0x15f: {  	_ =	sfence.sel $0x180000  }
0x160: {  	[bflag:$0x0] =	sbarrier.arrive $0xFFFF  }
0x161: {  	_ =	strace $0x9000004D  }
0x162: {  	s0 =	stileid.u32;
	[bflag:$0x2] =	sbarrier.arrive $0xFFFF  }
0x163: {  	p0 =	sne.s32 s0, $0x0;
	s0 =	rddreg [dreg:$0x2]  }
0x164: {  	s0 =	sadd.s32 @!p0 $0x100000, s0  }
0x165: {  	[sflag:s0] =	ssyncadd.tile.s32 @!p0 $0x1;
	_ =	shalt  }
.Lfunc_end2:
_tile_overlayer_lowered:
.L_overlay_start_2:
0x166: {  	(tag) =	ssettag $0x2  }
0x167: {  	s0 =	rddreg [dreg:$0x0];
	s2 =	stileid.u32  }
0x168: {  	s1 =	rddreg [dreg:$0x1];
	p0 =	sne.s32 s2, $0x0  }
0x169: {  	s3 =	rddreg [dreg:$0x2];
	[bflag:$0x3] =	sbarrier.arrive $0xFFFF;
	s2 =	simm.s32 @!p0 $0x1C02  }
0x16a: {  	[timem:s3], [sflag:s2] =	dma.local @!p0 [hbm:s0], s1  }
0x16b: {  	s0 =	simm.s32 @!p0 $0x2  }
0x16c: {  	_ =	swait.ge @!p0 [sflag:s0], s1  }
0x16d: {  	s1 =	ssub.s32 @!p0 $0x0, s1;
	[sflag:s0] =	ssyncset.done @!p0 $0x0  }
0x16e: {  	[sflag:s0] =	ssyncadd.s32 @!p0 s1  }
0x16f: {  	[bflag:$0x3] =	sbarrier.arrive $0xFFFF  }
0x170: {  	_ =	shalt  }

// kernel: kernel.7.cloned.1.call-start
scs
__scs_entry_jumppad:
0x0: {  	(pc) =	sbr.rel $0x88, $3  }
0x1: {  	(tag) =	ssettag $0x0;
	lr =	simm.s32 $0x1  }
0x2: {  	[smem:$0x3F9D] =	sst lr;
	_ =	strace $0xD0000000  }
0x3: {  	_ = 	snop  }
0x4: {  	_ = 	snop  }
0x5: {  	_ = 	snop  }
0x6: {  	_ = 	snop  }
0x7: {  	_ = 	snop  }
__scs_overlays_trampoline_lowered:
0x8: {  	[smem:$0x3FAC] =	sst s0  }
0x9: {  	[smem:$0x3FAD] =	sst s1  }
0xa: {  	[smem:$0x3FAE] =	sst s2  }
0xb: {  	[smem:$0x3FAF] =	sst s3  }
0xc: {  	[smem:$0x3FB0] =	sst s4  }
0xd: {  	[smem:$0x3FB1] =	sst s5  }
0xe: {  	[smem:$0x3FB2] =	sst s6  }
0xf: {  	[smem:$0x3FB3] =	sst s7  }
0x10: {  	[smem:$0x3FB4] =	sst s8  }
0x11: {  	[smem:$0x3FB5] =	sst s9;
	s0 =	simm.s32 @!p0 $0x0  }
0x12: {  	s1 =	sld [smem:$0x3F9B];
	s0 =	simm.s32 @p0 $0x1  }
0x13: {  	[smem:$0x3FB6] =	sst s0;
	s0 =	simm.s32 @!p1 $0x0  }
0x14: {  	s2 =	sld [smem:$0x3F9A];
	s0 =	simm.s32 @p1 $0x1  }
0x15: {  	[smem:$0x3FB7] =	sst s0;
	s0 =	simm.s32 @!p2 $0x0  }
0x16: {  	s3 =	sld [smem:$0x3FDB];
	s0 =	simm.s32 @p2 $0x1  }
0x17: {  	s4 =	simm.s32 $0x1BF5;
	[smem:$0x3FB9] =	sst s0  }
0x18: {  	s0 =	sld [smem:$0x3F9C];
	_ =	swait.ge [sflag:s4], $0x0  }
0x19: {  	s7 =	sld [smem:$0x3F9D]  }
0x1a: {  	s8 =	sadd.s32 $0xFFFFE003, lr  }
0x1b: {  	s9 =	sadd.s32 $0xFFFFFEF7, lr;
	s5 =	simm.s32 $0xFFFFFFFF;
	p2 =	slt.u32 s8, $0xFFFFF086  }
0x1c: {  	p1 =	slt.u32 s9, $0xF7A;
	s5 =	simm.s32 @!p2 $0x0  }
0x1d: {  	s5 =	simm.s32 @p1 $0x1;
	p0 =	seq.s32 s7, s2  }
0x1e: {  	s7 =	smul.u32 @!p0 $0xF7A, s2;
	p2 =	seq.s32 @!p0 s5, $0x0  }
0x1f: {  	s9 =	smul.u32 $0xF7A, s1;
	s8 =	simm.s32 @!p0 $0x1BF5;
	p2 =	por !p2, p0  }
0x20: {  	[sflag:s8] =	ssyncset.s32 @!p0 $0xFFFFF086;
	s6 =	sadd.s32 @!p0 s3, s7;
	s7 =	simm.s32 @!p0 $0x108  }
0x21: {  	s3 =	sadd.s32 s3, s9;
	s6 =	sadd.s32 @!p0 $0x88, s6;
	s7 =	simm.s32 @p2 $0x1082  }
0x22: {  	[simem:s7], [sflag:s8] =	dma.local @!p0 [hbm:s6], $0xF7A  }
0x23: {  	s9 =	sor.u32 $0xD0000000, s2;
	s6 =	simm.s32 $0x108;
	_ =	swait.ge @!p0 [sflag:s8], $0x0  }
0x24: {  	s3 =	sadd.s32 $0x88, s3;
	s6 =	simm.s32 @!p1 $0x1082;
	[sflag:s4] =	ssyncset.s32 $0xFFFFF086  }
0x25: {  	[simem:s6], [sflag:s4] =	dma.local [hbm:s3], $0xF7A  }
0x26: {  	[smem:$0x3F9D] =	sst s1;
	(tag) =	ssettag s2;
	_ =	strace s9  }
0x27: {  	s1 =	sld [smem:$0x3FAD]  }
0x28: {  	s2 =	sld [smem:$0x3FAE]  }
0x29: {  	s4 =	sld [smem:$0x3FB0]  }
0x2a: {  	p0 =	seq.s32 s5, $0x0;
	s5 =	sld [smem:$0x3FB1]  }
0x2b: {  	s6 =	sld [smem:$0x3FB2]  }
0x2c: {  	s7 =	sld [smem:$0x3FB3]  }
0x2d: {  	s3 =	simm.s32 $0x108;
	s8 =	sld [smem:$0x3FB4]  }
0x2e: {  	s3 =	simm.s32 @!p0 $0x1082;
	s9 =	sld [smem:$0x3FB5]  }
0x2f: {  	lr =	sadd.s32 s0, s3;
	s0 =	sld [smem:$0x3FAC]  }
0x30: {  	s3 =	sld [smem:$0x3FAF]  }
0x31: {  	[smem:$0x3FB8] =	sst s10  }
0x32: {  	s10 =	sld [smem:$0x3FB6];
	_ =	sdelay $0x3  }
0x33: {  	p0 =	seq.s32 s10, $0x1;
	s10 =	sld [smem:$0x3FB8];
	_ =	sdelay $0x3  }
0x34: {  	[smem:$0x3FB8] =	sst s10  }
0x35: {  	s10 =	sld [smem:$0x3FB7];
	_ =	sdelay $0x3  }
0x36: {  	p1 =	seq.s32 s10, $0x1;
	s10 =	sld [smem:$0x3FB8];
	_ =	sdelay $0x3  }
0x37: {  	[smem:$0x3FB8] =	sst s10  }
0x38: {  	s10 =	sld [smem:$0x3FB9]  }
0x39: {  	_ = 	snop;
	(pc) =	sbr.ind lr, $3  }
0x3a: {  	_ = 	snop  }
0x3b: {  	_ = 	snop  }
0x3c: {  	p2 =	seq.s32 s10, $0x1;
	s10 =	sld [smem:$0x3FB8]  }
0x3d: {  	_ =	shalt  }
0x3e: {  	_ =	shalt  }
0x3f: {  	_ =	shalt  }
0x40: {  	_ =	shalt  }
0x41: {  	_ =	shalt  }
0x42: {  	_ =	shalt  }
0x43: {  	_ =	shalt  }
0x44: {  	_ =	shalt  }
0x45: {  	_ =	shalt  }
0x46: {  	_ =	shalt  }
0x47: {  	_ =	shalt  }
0x48: {  	_ =	shalt  }
0x49: {  	_ =	shalt  }
0x4a: {  	_ =	shalt  }
0x4b: {  	_ =	shalt  }
0x4c: {  	_ =	shalt  }
0x4d: {  	_ =	shalt  }
0x4e: {  	_ =	shalt  }
0x4f: {  	_ =	shalt  }
0x50: {  	_ =	shalt  }
0x51: {  	_ =	shalt  }
0x52: {  	_ =	shalt  }
0x53: {  	_ =	shalt  }
0x54: {  	_ =	shalt  }
0x55: {  	_ =	shalt  }
0x56: {  	_ =	shalt  }
0x57: {  	_ =	shalt  }
0x58: {  	_ =	shalt  }
0x59: {  	_ =	shalt  }
0x5a: {  	_ =	shalt  }
0x5b: {  	_ =	shalt  }
0x5c: {  	_ =	shalt  }
0x5d: {  	_ =	shalt  }
0x5e: {  	_ =	shalt  }
0x5f: {  	_ =	shalt  }
0x60: {  	_ =	shalt  }
0x61: {  	_ =	shalt  }
0x62: {  	_ =	shalt  }
0x63: {  	_ =	shalt  }
0x64: {  	_ =	shalt  }
0x65: {  	_ =	shalt  }
0x66: {  	_ =	shalt  }
0x67: {  	_ =	shalt  }
0x68: {  	_ =	shalt  }
0x69: {  	_ =	shalt  }
0x6a: {  	_ =	shalt  }
0x6b: {  	_ =	shalt  }
0x6c: {  	_ =	shalt  }
0x6d: {  	_ =	shalt  }
0x6e: {  	_ =	shalt  }
0x6f: {  	_ =	shalt  }
0x70: {  	_ =	shalt  }
0x71: {  	_ =	shalt  }
0x72: {  	_ =	shalt  }
0x73: {  	_ =	shalt  }
0x74: {  	_ =	shalt  }
0x75: {  	_ =	shalt  }
0x76: {  	_ =	shalt  }
0x77: {  	_ =	shalt  }
0x78: {  	_ =	shalt  }
0x79: {  	_ =	shalt  }
0x7a: {  	_ =	shalt  }
0x7b: {  	_ =	shalt  }
0x7c: {  	_ =	shalt  }
0x7d: {  	_ =	shalt  }
0x7e: {  	_ =	shalt  }
0x7f: {  	_ =	shalt  }
0x80: {  	_ =	shalt  }
0x81: {  	_ =	shalt  }
0x82: {  	_ =	shalt  }
0x83: {  	_ =	shalt  }
0x84: {  	_ =	shalt  }
0x85: {  	_ =	shalt  }
0x86: {  	_ =	shalt  }
0x87: {  	_ =	shalt  }
.Lfunc_end0:
.L_simem_size_0:
called_computation_lowered:
.L_overlay_start_0:
0x88: {  	s2 =	sld [smem:$0x3FD9]  }
0x89: {  	s3 =	sld [smem:$0x3FFE];
	_ =	sdelay $0x1  }
0x8a: {  	s1 =	srdreg.scid  }
0x8b: {  	s0 =	sand.u32 $0x1, s1  }
0x8c: {  	s17 =	sshll.u32 s0, $0xA;
	s2 =	sadd.s32 s3, s2  }
0x8d: {  	s2 =	sadd.s32 s2, s17  }
0x8e: {  	[smem:$0x3FC4] =	sst s2  }
0x8f: {  	_ = 	snop  }
0x90: {  	s4 =	sld [smem:$0x3FC9]  }
0x91: {  	s18 =	sld [smem:$0x3FD0];
	(tm) =	ssettm $0x1  }
0x92: {  	s19 =	sld [smem:$0x3FFB];
	_ =	sdelay $0x3  }
0x93: {  	_ =	strace s19  }
0x94: {  	s2 =	sld [smem:$0x3FFC];
	_ =	sdelay $0x3  }
0x95: {  	_ =	strace s2  }
0x96: {  	s2 =	sld [smem:$0x3FFD];
	_ =	sdelay $0x3  }
0x97: {  	_ =	strace s2  }
0x98: {  	_ =	strace $0x8FFFFFFF  }
0x99: {  	s20 =	sld [smem:$0x3FDB];
	_ =	sdelay $0x1  }
0x9a: {  	s5 =	simm.s32 $_scs_section_size  }
0x9b: {  	s6 =	simm.s32 $_size__tile_overlayer_lowered;
	s7 =	simm.s32 $_tile_overlayer_lowered  }
0x9c: {  	s8 =	simm.s32 $0x1BFF;
	s21 =	sshll.u32 s7, $0x1;
	s5 =	sadd.s32 s5, s20  }
0x9d: {  	s22 =	simm.s32 $0x0;
	s6 =	sshll.u32 s6, $0x1;
	s7 =	sadd.s32 s21, s5  }
0x9e: {  	[timem:s22], [sflag:s8] =	dma.local [hbm:s7], s6  }
0x9f: {  	_ =	swait.ge [sflag:s8], s6  }
0xa0: {  	s6 =	ssub.s32 $0x0, s6;
	[sflag:s8] =	ssyncset.done $0x0  }
0xa1: {  	[sflag:s8] =	ssyncadd.s32 s6;
	_ =	sdelay $0x1  }
0xa2: {  	s23 =	simm.s32 $0x1B8B  }
0xa3: {  	_ =	swait.ge [sflag:s23], $0x1  }
0xa4: {  	[sflag:s23] =	ssyncset.done $0x0  }
0xa5: {  	[sflag:s23] =	ssyncadd.s32 $0xFFFFFFFF  }
0xa6: {  	s6 =	sld [smem:$0x0]  }
0xa7: {  	s7 =	sand.u32 $0xFFFFFFFE, s1  }
0xa8: {  	p0 =	sne.s32 s1, s7  }
0xa9: {  	s7 =	sshll.u32 @p0 s7, $0xE  }
0xaa: {  	s7 =	sadd.s32 @p0 $0x11B8D, s7;
	s8 =	sshll.u32 @p0 s6, $0x11  }
0xab: {  	s7 =	sor.u32 @p0 s8, s7  }
0xac: {  	[sflag:s7] =	ssyncadd.remote.s32 @p0 $0x1;
	_ =	sdelay $0x1  }
0xad: {  	s7 =	simm.s32 @p0 $0x1B8D  }
0xae: {  	_ =	swait.eq @p0 [sflag:s7], $0x1  }
0xaf: {  	[sflag:s7] =	ssyncadd.s32 @p0 $0xFFFFFFFF  }
0xb0: {  	s8 =	sshll.u32 @!p0 s1, $0xE  }
0xb1: {  	s8 =	sor.u32 @!p0 $0x4000, s8;
	s7 =	simm.s32 @!p0 $0x1B8D  }
0xb2: {  	s6 =	sshll.u32 @!p0 s6, $0x11;
	s8 =	sadd.s32 @!p0 $0x11B8D, s8;
	_ =	swait.eq @!p0 [sflag:s7], $0x1  }
0xb3: {  	s6 =	sor.u32 @!p0 s6, s8;
	[sflag:s7] =	ssyncadd.s32 @!p0 $0xFFFFFFFF  }
0xb4: {  	s25 =	simm.s32 $0x1B8E;
	s24 =	sld [smem:$0x3FFE];
	[sflag:s6] =	ssyncadd.remote.s32 @!p0 $0x1  }
0xb5: {  	s26 =	simm.s32 $execute0_lowered;
	[smem:$0x3FD2] =	sst s25  }
0xb6: {  	s7 =	sshll.u32 s26, $0x1;
	_ =	strace $0x80000049;
	[dreg:$0x1] =	wrdreg $0xFFFFFFFF  }
0xb7: {  	s28 =	simm.s32 $_size_execute0_lowered;
	s5 =	sadd.s32 s5, s7;
	[dreg:$0x0] =	wrdreg $0x0  }
0xb8: {  	s7 =	sshll.u32 s28, $0x1;
	[dreg:$0x2] =	wrdreg s5  }
0xb9: {  	[dreg:$0x3] =	wrdreg s7  }
0xba: {  	[dreg:$0x4] =	wrdreg $0xC0  }
0xbb: {  	_ =	task [dreg:s22], $0x5FFFF  }
0xbc: {  	[dreg:$0x1] =	wrdreg $0xFFFFFFFF  }
0xbd: {  	[dreg:$0x0] =	wrdreg $0x60  }
0xbe: {  	[dreg:$0x2] =	wrdreg s4  }
0xbf: {  	[dreg:$0x3] =	wrdreg s24  }
0xc0: {  	[dreg:$0x4] =	wrdreg s18  }
0xc1: {  	[dreg:$0x5] =	wrdreg $0x9  }
0xc2: {  	_ =	task.clear_ibuf [dreg:s22], $0x6FFFF;
	_ =	strace $0x90000049  }
0xc3: {  	s29 =	simm.s32 $0x9;
	_ =	strace $0x8000004B  }
0xc4: {  	_ =	swait.ge [sflag:s29], $0x1  }
0xc5: {  	[sflag:s29] =	ssyncadd.s32 $0xFFFFFFFF  }
0xc6: {  	_ =	strace $0x9000004B  }
0xc7: {  	_ =	sfence  }
0xc8: {  	s30 =	sld [smem:$0x0];
	_ =	sdelay $0x2  }
0xc9: {  	s31 =	sshll.u32 s1, $0xD;
	s1 =	sshrl.u32 s1, $0x2  }
0xca: {  	s4 =	sand.u32 $0x4000, s31;
	s1 =	sadd.s32 s1, s30  }
0xcb: {  	s0 =	sor.u32 s4, s0;
	s1 =	sshll.u32 s1, $0x11  }
0xcc: {  	s0 =	sor.u32 s1, s0  }
0xcd: {  	s0 =	sadd.s32 $0x8F2B, s0  }
0xce: {  	[sflag:s0] =	ssyncadd.remote.s32 $0x1  }
0xcf: {  	_ =	sfence.sel $0xFFFF  }
0xd0: {  	[dreg:$0x0] =	wrdreg $0xFFFFFFFF;
	(pc) =	sbr.abs _section_cstart, $3  }
0xd1: {  	[dreg:$0x1] =	wrdreg $0xFFFFFFFF  }
0xd2: {  	_ =	task.clear_ibuf [dreg:s22], $0x2FFFF;
	_ =	strace $0x9FFFFFFF  }
0xd3: {  	(tm) =	ssettm $0x7FFFFFFF  }
tec
execute0_lowered:
.L_overlay_start_1:
0x0: {  	(tag) =	ssettag $0x1  }
0x1: {  	s1 =	rddreg [dreg:$0x0]  }
0x2: {  	s4 =	rddreg [dreg:$0x1]  }
0x3: {  	s5 =	rddreg [dreg:$0x2];
	s3 =	simm.s32 $0x0  }
0x4: {  	s23 =	simm.s32 $0x880;
	[smem:$0x7FF] =	sst s3  }
0x5: {  	s24 =	simm.s32 $0x1080;
	_ =	strace $0x8000004A;
	[dreg:$0x6] =	wrdreg s23  }
0x6: {  	s25 =	simm.s32 $0x1880;
	[dreg:$0x7] =	wrdreg s24  }
0x7: {  	s0 =	stileid.u32;
	s26 =	simm.s32 $0x2080;
	[dreg:$0x8] =	wrdreg s25  }
0x8: {  	s6 =	sshll.u32 s0, $0x5;
	s0 =	simm.s32 $0x2880;
	[dreg:$0x9] =	wrdreg s26  }
0x9: {  	s8 =	simm.s32 $0x4880;
	[dreg:$0xa] =	wrdreg s0  }
0xa: {  	s9 =	simm.s32 $0x5080;
	[dreg:$0xe] =	wrdreg s8  }
0xb: {  	s10 =	simm.s32 $0x5880;
	[dreg:$0xf] =	wrdreg s9  }
0xc: {  	s11 =	simm.s32 $0x6080;
	[dreg:$0x10] =	wrdreg s10  }
0xd: {  	s12 =	simm.s32 $0x6880;
	[dreg:$0x11] =	wrdreg s11  }
0xe: {  	s13 =	simm.s32 $0x7080;
	[dreg:$0x12] =	wrdreg s12  }
0xf: {  	s14 =	simm.s32 $0x7880;
	[dreg:$0x13] =	wrdreg s13  }
0x10: {  	s2 =	srdreg.scid;
	s15 =	simm.s32 $0x8080;
	[dreg:$0x14] =	wrdreg s14  }
0x11: {  	s16 =	simm.s32 $0x8880;
	s17 =	simm.s32 $0x9080;
	[dreg:$0x15] =	wrdreg s15  }
0x12: {  	s18 =	simm.s32 $0x9880;
	s20 =	simm.s32 $0xA080;
	[dreg:$0x16] =	wrdreg s16  }
0x13: {  	s21 =	simm.s32 $0xA880;
	s28 =	simm.s32 $0x16880;
	[dreg:$0x17] =	wrdreg s17  }
0x14: {  	s29 =	simm.s32 $0x17080;
	s30 =	simm.s32 $0x17880;
	[dreg:$0x18] =	wrdreg s18  }
0x15: {  	s31 =	simm.s32 $0x1;
	s2 =	sand.u32 $0x1, s2;
	[dreg:$0x19] =	wrdreg s20  }
0x16: {  	s7 =	sshll.u32 s2, $0x4;
	s2 =	ssub.s32 $0x2, s2;
	[dreg:$0x1a] =	wrdreg s21  }
0x17: {  	s23 =	simm.s32 $0xB880;
	s24 =	simm.s32 $0xC080;
	s25 =	simm.s32 $0xC880  }
0x18: {  	s8 =	simm.s32 $0x80;
	s26 =	simm.s32 $0xD080;
	s10 =	simm.s32 $0xE080  }
0x19: {  	s11 =	simm.s32 $0xE880;
	s12 =	simm.s32 $0xF080;
	s13 =	simm.s32 $0xF880  }
0x1a: {  	s14 =	simm.s32 $0x10080;
	s15 =	simm.s32 $0x10880;
	s16 =	simm.s32 $0x11080  }
0x1b: {  	s17 =	simm.s32 $0x11880;
	s18 =	simm.s32 $0x12080;
	[dreg:$0x1c] =	wrdreg s23  }
0x1c: {  	s20 =	simm.s32 $0x13080;
	s21 =	simm.s32 $0x13880;
	[dreg:$0x1d] =	wrdreg s24  }
0x1d: {  	s6 =	sor.u32 s7, s6;
	s7 =	simm.s32 $0x4080;
	[dreg:$0x1e] =	wrdreg s25  }
0x1e: {  	s19 =	sshrl.u32 s2, $0x1;
	[dreg:$0x1f] =	wrdreg s26;
	s23 =	simm.s32 $0x14880  }
0x1f: {  	s24 =	simm.s32 $0x15080;
	s4 =	sadd.s32 s6, s4;
	s6 =	smul.u32 $0x300, s6  }
0x20: {  	s25 =	simm.s32 $0x15880;
	[dreg:$0xd] =	wrdreg s7;
	s4 =	sadd.s32 $0x1200, s4  }
0x21: {  	s26 =	simm.s32 $0x16080;
	[dreg:$0x4] =	wrdreg s4;
	s22 =	sadd.s32 s5, s6  }
0x22: {  	s2 =	ssub.s32 s2, s19;
	s5 =	simm.s32 $0x3080;
	[dreg:$0x5] =	wrdreg s22  }
0x23: {  	s7 =	simm.s32 $0x3;
	s6 =	simm.s32 $0x3880;
	[dreg:$0xb] =	wrdreg s5  }
0x24: {  	v2 =	vlaneseq.u32;
	s19 =	simm.s32 $0x12880;
	s4 =	sadd.s32 $0x100, s1;
	[dreg:$0xc] =	wrdreg s6  }
0x25: {  	vm0 =	vmmov $0xffff;
	v1 =	vshrl.u32 v2, $0x3;
	s22 =	simm.s32 $0xB080;
	s5 =	sadd.s32 $0x200, s1;
	s6 =	smax.u32 s2, $0x1  }
0x26: {  	v0 =	vand.u32 $0x7, v2;
	v2 =	vor.u32 $0x8, v2;
	v1 =	vmul.u32 $0x8, v1;
	s2 =	simm.s32 $0x2;
	[dreg:$0x1b] =	wrdreg s22;
	s22 =	simm.s32 $0x14080  }
.LBB2_1:
0x27: {  	s0 =	rddreg [dreg:$0x4]  }
0x28: {  	[tilespmem:s3], [sflag:$0x3] =	stream.linear.gather [hbm4b:s0+s3], $0x80, $0x38;
	[tilespmem:$0x18080] =	vst v63  }
0x29: {  	_ =	swait.ge [sflag:s7], $0x80  }
0x2a: {  	[sflag:s7] =	ssyncset.done $0x0  }
0x2b: {  	[sflag:s7] =	ssyncadd.s32 $0xFFFFFF80  }
0x2c: {  	v3 =	vld [tilespmem:$0x0];
	_ =	sdelay $0x4  }
0x2d: {  	v4 =	vshrl.u32 v3, $0x3  }
0x2e: {  	v4 =	vmul.u32 $0x30, v4  }
0x2f: {  	v3 =	vand.u32 $0x7, v3  }
0x30: {  	v3 =	vor.u32 v3, v4  }
0x31: {  	v4 =	vperm.xlane v3, v0;
	_ =	sdelay $0x1  }
0x32: {  	v4 =	vadd.s32 v1, v4;
	_ =	sdelay $0x3  }
0x33: {  	v3 =	vperm.xlane v3, v2  }
0x34: {  	[tilespmem:s8], [sflag:$0x1] =	stream.indirect_vreg.gather [hbm4b:s1+s3], $0x80, v4, vm0, $0xb8;
	[tilespmem:$0x18080] =	vst v63  }
0x35: {  	s0 =	rddreg [dreg:$0x6];
	v3 =	vadd.s32 v1, v3  }
0x36: {  	[tilespmem:s0], [sflag:$0x1] =	stream.indirect_vreg.gather [hbm4b:s4+s3], $0x80, v4, vm0, $0xb8;
	[tilespmem:$0x18080] =	vst v63  }
0x37: {  	s9 =	rddreg [dreg:$0x7]  }
0x38: {  	[tilespmem:s9], [sflag:$0x1] =	stream.indirect_vreg.gather [hbm4b:s5+s3], $0x80, v4, vm0, $0xb8;
	[tilespmem:$0x18080] =	vst v63  }
0x39: {  	s0 =	rddreg [dreg:$0x8]  }
0x3a: {  	[tilespmem:s0], [sflag:$0x1] =	stream.indirect_vreg.gather [hbm4b:s1+s3], $0x80, v3, vm0, $0xb8;
	[tilespmem:$0x18080] =	vst v63  }
0x3b: {  	s9 =	rddreg [dreg:$0x9]  }
0x3c: {  	[tilespmem:s9], [sflag:$0x1] =	stream.indirect_vreg.gather [hbm4b:s4+s3], $0x80, v3, vm0, $0xb8;
	[tilespmem:$0x18080] =	vst v63  }
0x3d: {  	s0 =	rddreg [dreg:$0xa]  }
0x3e: {  	[tilespmem:s0], [sflag:$0x1] =	stream.indirect_vreg.gather [hbm4b:s5+s3], $0x80, v3, vm0, $0xb8;
	[tilespmem:$0x18080] =	vst v63  }
0x3f: {  	v3 =	vld [tilespmem:$0x10];
	_ =	sdelay $0x4  }
0x40: {  	v57 =	vshrl.u32 v3, $0x3  }
0x41: {  	v4 =	vmul.u32 $0x30, v57  }
0x42: {  	v3 =	vand.u32 $0x7, v3  }
0x43: {  	v3 =	vor.u32 v3, v4  }
0x44: {  	v4 =	vperm.xlane v3, v0;
	_ =	sdelay $0x1  }
0x45: {  	v4 =	vadd.s32 v1, v4;
	_ =	sdelay $0x3  }
0x46: {  	s0 =	rddreg [dreg:$0xb];
	v3 =	vperm.xlane v3, v2  }
0x47: {  	[tilespmem:s0], [sflag:$0x1] =	stream.indirect_vreg.gather [hbm4b:s1+s3], $0x80, v4, vm0, $0xb8;
	[tilespmem:$0x18080] =	vst v63  }
0x48: {  	s9 =	rddreg [dreg:$0xc];
	v3 =	vadd.s32 v1, v3  }
0x49: {  	[tilespmem:s9], [sflag:$0x1] =	stream.indirect_vreg.gather [hbm4b:s4+s3], $0x80, v4, vm0, $0xb8;
	[tilespmem:$0x18080] =	vst v63  }
0x4a: {  	s0 =	rddreg [dreg:$0xd]  }
0x4b: {  	[tilespmem:s0], [sflag:$0x1] =	stream.indirect_vreg.gather [hbm4b:s5+s3], $0x80, v4, vm0, $0xb8;
	[tilespmem:$0x18080] =	vst v63  }
0x4c: {  	s9 =	rddreg [dreg:$0xe]  }
0x4d: {  	[tilespmem:s9], [sflag:$0x1] =	stream.indirect_vreg.gather [hbm4b:s1+s3], $0x80, v3, vm0, $0xb8;
	[tilespmem:$0x18080] =	vst v63  }
0x4e: {  	s0 =	rddreg [dreg:$0xf]  }
0x4f: {  	[tilespmem:s0], [sflag:$0x1] =	stream.indirect_vreg.gather [hbm4b:s4+s3], $0x80, v3, vm0, $0xb8;
	[tilespmem:$0x18080] =	vst v63  }
0x50: {  	s9 =	rddreg [dreg:$0x10]  }
0x51: {  	[tilespmem:s9], [sflag:$0x1] =	stream.indirect_vreg.gather [hbm4b:s5+s3], $0x80, v3, vm0, $0xb8;
	[tilespmem:$0x18080] =	vst v63  }
0x52: {  	v3 =	vld [tilespmem:$0x20];
	_ =	sdelay $0x4  }
0x53: {  	v58 =	vshrl.u32 v3, $0x3  }
0x54: {  	v4 =	vmul.u32 $0x30, v58  }
0x55: {  	v3 =	vand.u32 $0x7, v3  }
0x56: {  	v3 =	vor.u32 v3, v4  }
0x57: {  	v4 =	vperm.xlane v3, v0;
	_ =	sdelay $0x1  }
0x58: {  	v4 =	vadd.s32 v1, v4;
	_ =	sdelay $0x3  }
0x59: {  	s0 =	rddreg [dreg:$0x11];
	v3 =	vperm.xlane v3, v2  }
0x5a: {  	[tilespmem:s0], [sflag:$0x1] =	stream.indirect_vreg.gather [hbm4b:s1+s3], $0x80, v4, vm0, $0xb8;
	[tilespmem:$0x18080] =	vst v63  }
0x5b: {  	s9 =	rddreg [dreg:$0x12];
	v3 =	vadd.s32 v1, v3  }
0x5c: {  	[tilespmem:s9], [sflag:$0x1] =	stream.indirect_vreg.gather [hbm4b:s4+s3], $0x80, v4, vm0, $0xb8;
	[tilespmem:$0x18080] =	vst v63  }
0x5d: {  	s0 =	rddreg [dreg:$0x13]  }
0x5e: {  	[tilespmem:s0], [sflag:$0x1] =	stream.indirect_vreg.gather [hbm4b:s5+s3], $0x80, v4, vm0, $0xb8;
	[tilespmem:$0x18080] =	vst v63  }
0x5f: {  	s9 =	rddreg [dreg:$0x14]  }
0x60: {  	[tilespmem:s9], [sflag:$0x1] =	stream.indirect_vreg.gather [hbm4b:s1+s3], $0x80, v3, vm0, $0xb8;
	[tilespmem:$0x18080] =	vst v63  }
0x61: {  	s0 =	rddreg [dreg:$0x15]  }
0x62: {  	[tilespmem:s0], [sflag:$0x1] =	stream.indirect_vreg.gather [hbm4b:s4+s3], $0x80, v3, vm0, $0xb8;
	[tilespmem:$0x18080] =	vst v63  }
0x63: {  	s9 =	rddreg [dreg:$0x16]  }
0x64: {  	[tilespmem:s9], [sflag:$0x1] =	stream.indirect_vreg.gather [hbm4b:s5+s3], $0x80, v3, vm0, $0xb8;
	[tilespmem:$0x18080] =	vst v63  }
0x65: {  	v3 =	vld [tilespmem:$0x30];
	_ =	sdelay $0x4  }
0x66: {  	v59 =	vshrl.u32 v3, $0x3  }
0x67: {  	v4 =	vmul.u32 $0x30, v59  }
0x68: {  	v3 =	vand.u32 $0x7, v3  }
0x69: {  	v3 =	vor.u32 v3, v4  }
0x6a: {  	v4 =	vperm.xlane v3, v0;
	_ =	sdelay $0x1  }
0x6b: {  	v4 =	vadd.s32 v1, v4;
	_ =	sdelay $0x3  }
0x6c: {  	s0 =	rddreg [dreg:$0x17];
	v3 =	vperm.xlane v3, v2  }
0x6d: {  	[tilespmem:s0], [sflag:$0x1] =	stream.indirect_vreg.gather [hbm4b:s1+s3], $0x80, v4, vm0, $0xb8;
	[tilespmem:$0x18080] =	vst v63  }
0x6e: {  	s9 =	rddreg [dreg:$0x18];
	v3 =	vadd.s32 v1, v3  }
0x6f: {  	[tilespmem:s9], [sflag:$0x1] =	stream.indirect_vreg.gather [hbm4b:s4+s3], $0x80, v4, vm0, $0xb8;
	[tilespmem:$0x18080] =	vst v63  }
0x70: {  	s0 =	rddreg [dreg:$0x19]  }
0x71: {  	[tilespmem:s0], [sflag:$0x1] =	stream.indirect_vreg.gather [hbm4b:s5+s3], $0x80, v4, vm0, $0xb8;
	[tilespmem:$0x18080] =	vst v63  }
0x72: {  	s9 =	rddreg [dreg:$0x1a]  }
0x73: {  	[tilespmem:s9], [sflag:$0x1] =	stream.indirect_vreg.gather [hbm4b:s1+s3], $0x80, v3, vm0, $0xb8;
	[tilespmem:$0x18080] =	vst v63  }
0x74: {  	s0 =	rddreg [dreg:$0x1b]  }
0x75: {  	[tilespmem:s0], [sflag:$0x1] =	stream.indirect_vreg.gather [hbm4b:s4+s3], $0x80, v3, vm0, $0xb8;
	[tilespmem:$0x18080] =	vst v63  }
0x76: {  	s9 =	rddreg [dreg:$0x1c]  }
0x77: {  	[tilespmem:s9], [sflag:$0x1] =	stream.indirect_vreg.gather [hbm4b:s5+s3], $0x80, v3, vm0, $0xb8;
	[tilespmem:$0x18080] =	vst v63  }
0x78: {  	v3 =	vld [tilespmem:$0x40];
	_ =	sdelay $0x4  }
0x79: {  	v60 =	vshrl.u32 v3, $0x3  }
0x7a: {  	v4 =	vmul.u32 $0x30, v60  }
0x7b: {  	v3 =	vand.u32 $0x7, v3  }
0x7c: {  	v3 =	vor.u32 v3, v4  }
0x7d: {  	v4 =	vperm.xlane v3, v0;
	_ =	sdelay $0x1  }
0x7e: {  	v4 =	vadd.s32 v1, v4;
	_ =	sdelay $0x3  }
0x7f: {  	s0 =	rddreg [dreg:$0x1d];
	v3 =	vperm.xlane v3, v2  }
0x80: {  	[tilespmem:s0], [sflag:$0x1] =	stream.indirect_vreg.gather [hbm4b:s1+s3], $0x80, v4, vm0, $0xb8;
	[tilespmem:$0x18080] =	vst v63  }
0x81: {  	s9 =	rddreg [dreg:$0x1e];
	v3 =	vadd.s32 v1, v3  }
0x82: {  	[tilespmem:s9], [sflag:$0x1] =	stream.indirect_vreg.gather [hbm4b:s4+s3], $0x80, v4, vm0, $0xb8;
	[tilespmem:$0x18080] =	vst v63  }
0x83: {  	s0 =	rddreg [dreg:$0x1f]  }
0x84: {  	[tilespmem:s0], [sflag:$0x1] =	stream.indirect_vreg.gather [hbm4b:s5+s3], $0x80, v4, vm0, $0xb8;
	[tilespmem:$0x18080] =	vst v63  }
0x85: {  	s9 =	simm.s32 $0xD880  }
0x86: {  	[tilespmem:s9], [sflag:$0x1] =	stream.indirect_vreg.gather [hbm4b:s1+s3], $0x80, v3, vm0, $0xb8;
	[tilespmem:$0x18080] =	vst v63  }
0x87: {  	_ = 	snop  }
0x88: {  	[tilespmem:s10], [sflag:$0x1] =	stream.indirect_vreg.gather [hbm4b:s4+s3], $0x80, v3, vm0, $0xb8;
	[tilespmem:$0x18080] =	vst v63  }
0x89: {  	_ = 	snop  }
0x8a: {  	[tilespmem:s11], [sflag:$0x1] =	stream.indirect_vreg.gather [hbm4b:s5+s3], $0x80, v3, vm0, $0xb8;
	[tilespmem:$0x18080] =	vst v63  }
0x8b: {  	v3 =	vld [tilespmem:$0x50];
	_ =	sdelay $0x4  }
0x8c: {  	v61 =	vshrl.u32 v3, $0x3  }
0x8d: {  	v4 =	vmul.u32 $0x30, v61  }
0x8e: {  	v3 =	vand.u32 $0x7, v3  }
0x8f: {  	v3 =	vor.u32 v3, v4  }
0x90: {  	v4 =	vperm.xlane v3, v0;
	_ =	sdelay $0x1  }
0x91: {  	v4 =	vadd.s32 v1, v4;
	_ =	sdelay $0x3  }
0x92: {  	v3 =	vperm.xlane v3, v2  }
0x93: {  	[tilespmem:s12], [sflag:$0x1] =	stream.indirect_vreg.gather [hbm4b:s1+s3], $0x80, v4, vm0, $0xb8;
	[tilespmem:$0x18080] =	vst v63  }
0x94: {  	v3 =	vadd.s32 v1, v3  }
0x95: {  	[tilespmem:s13], [sflag:$0x1] =	stream.indirect_vreg.gather [hbm4b:s4+s3], $0x80, v4, vm0, $0xb8;
	[tilespmem:$0x18080] =	vst v63  }
0x96: {  	_ = 	snop  }
0x97: {  	[tilespmem:s14], [sflag:$0x1] =	stream.indirect_vreg.gather [hbm4b:s5+s3], $0x80, v4, vm0, $0xb8;
	[tilespmem:$0x18080] =	vst v63  }
0x98: {  	_ = 	snop  }
0x99: {  	[tilespmem:s15], [sflag:$0x1] =	stream.indirect_vreg.gather [hbm4b:s1+s3], $0x80, v3, vm0, $0xb8;
	[tilespmem:$0x18080] =	vst v63  }
0x9a: {  	_ = 	snop  }
0x9b: {  	[tilespmem:s16], [sflag:$0x1] =	stream.indirect_vreg.gather [hbm4b:s4+s3], $0x80, v3, vm0, $0xb8;
	[tilespmem:$0x18080] =	vst v63  }
0x9c: {  	_ = 	snop  }
0x9d: {  	[tilespmem:s17], [sflag:$0x1] =	stream.indirect_vreg.gather [hbm4b:s5+s3], $0x80, v3, vm0, $0xb8;
	[tilespmem:$0x18080] =	vst v63  }
0x9e: {  	v3 =	vld [tilespmem:$0x60];
	_ =	sdelay $0x4  }
0x9f: {  	v62 =	vshrl.u32 v3, $0x3  }
0xa0: {  	v4 =	vmul.u32 $0x30, v62  }
0xa1: {  	v3 =	vand.u32 $0x7, v3  }
0xa2: {  	v3 =	vor.u32 v3, v4  }
0xa3: {  	v4 =	vperm.xlane v3, v0;
	_ =	sdelay $0x1  }
0xa4: {  	v4 =	vadd.s32 v1, v4;
	_ =	sdelay $0x3  }
0xa5: {  	v3 =	vperm.xlane v3, v2  }
0xa6: {  	[tilespmem:s18], [sflag:$0x1] =	stream.indirect_vreg.gather [hbm4b:s1+s3], $0x80, v4, vm0, $0xb8;
	[tilespmem:$0x18080] =	vst v63  }
0xa7: {  	v3 =	vadd.s32 v1, v3  }
0xa8: {  	[tilespmem:s19], [sflag:$0x1] =	stream.indirect_vreg.gather [hbm4b:s4+s3], $0x80, v4, vm0, $0xb8;
	[tilespmem:$0x18080] =	vst v63  }
0xa9: {  	_ = 	snop  }
0xaa: {  	[tilespmem:s20], [sflag:$0x1] =	stream.indirect_vreg.gather [hbm4b:s5+s3], $0x80, v4, vm0, $0xb8;
	[tilespmem:$0x18080] =	vst v63  }
0xab: {  	_ = 	snop  }
0xac: {  	[tilespmem:s21], [sflag:$0x1] =	stream.indirect_vreg.gather [hbm4b:s1+s3], $0x80, v3, vm0, $0xb8;
	[tilespmem:$0x18080] =	vst v63  }
0xad: {  	_ = 	snop  }
0xae: {  	[tilespmem:s22], [sflag:$0x1] =	stream.indirect_vreg.gather [hbm4b:s4+s3], $0x80, v3, vm0, $0xb8;
	[tilespmem:$0x18080] =	vst v63  }
0xaf: {  	_ = 	snop  }
0xb0: {  	[tilespmem:s23], [sflag:$0x1] =	stream.indirect_vreg.gather [hbm4b:s5+s3], $0x80, v3, vm0, $0xb8;
	[tilespmem:$0x18080] =	vst v63  }
0xb1: {  	v3 =	vld [tilespmem:$0x70];
	_ =	sdelay $0x4  }
0xb2: {  	v63 =	vshrl.u32 v3, $0x3  }
0xb3: {  	v4 =	vmul.u32 $0x30, v63  }
0xb4: {  	v3 =	vand.u32 $0x7, v3  }
0xb5: {  	v3 =	vor.u32 v3, v4  }
0xb6: {  	v4 =	vperm.xlane v3, v0;
	_ =	sdelay $0x1  }
0xb7: {  	v4 =	vadd.s32 v1, v4;
	_ =	sdelay $0x3  }
0xb8: {  	v3 =	vperm.xlane v3, v2  }
0xb9: {  	[tilespmem:s24], [sflag:$0x1] =	stream.indirect_vreg.gather [hbm4b:s1+s3], $0x80, v4, vm0, $0xb8;
	[tilespmem:$0x18080] =	vst v63  }
0xba: {  	v3 =	vadd.s32 v1, v3  }
0xbb: {  	[tilespmem:s25], [sflag:$0x1] =	stream.indirect_vreg.gather [hbm4b:s4+s3], $0x80, v4, vm0, $0xb8;
	[tilespmem:$0x18080] =	vst v63  }
0xbc: {  	_ = 	snop  }
0xbd: {  	[tilespmem:s26], [sflag:$0x1] =	stream.indirect_vreg.gather [hbm4b:s5+s3], $0x80, v4, vm0, $0xb8;
	[tilespmem:$0x18080] =	vst v63  }
0xbe: {  	_ = 	snop  }
0xbf: {  	[tilespmem:s28], [sflag:$0x1] =	stream.indirect_vreg.gather [hbm4b:s1+s3], $0x80, v3, vm0, $0xb8;
	[tilespmem:$0x18080] =	vst v63  }
0xc0: {  	_ = 	snop  }
0xc1: {  	[tilespmem:s29], [sflag:$0x1] =	stream.indirect_vreg.gather [hbm4b:s4+s3], $0x80, v3, vm0, $0xb8;
	[tilespmem:$0x18080] =	vst v63  }
0xc2: {  	_ = 	snop  }
0xc3: {  	[tilespmem:s30], [sflag:$0x1] =	stream.indirect_vreg.gather [hbm4b:s5+s3], $0x80, v3, vm0, $0xb8;
	[tilespmem:$0x18080] =	vst v63  }
0xc4: {  	_ =	swait.ge [sflag:s31], $0x18000  }
0xc5: {  	p0 =	sne.s32 s6, $0x1;
	[sflag:s31] =	ssyncset.done $0x0  }
.Ltmp0:
0xc6: {  	s9 =	rddreg [dreg:$0x5];
	[sflag:s31] =	ssyncadd.s32 $0xFFFE8000;
	(pc) =	sbr.rel @p0 .LBB2_1-.Ltmp0, $4  }
0xc7: {  	[hbm4b:s9+s3] =	stream.linear.scatter [tilespmem:s8], [sflag:$0x2], $0x18000, $0x38;
	[tilespmem:$0x18080] =	vst v63  }
0xc8: {  	_ =	swait.ge [sflag:s2], $0x18000  }
0xc9: {  	[sflag:s2] =	ssyncset.done $0x0  }
0xca: {  	s6 =	sadd.s32 $0xFFFFFFFF, s6;
	[sflag:s2] =	ssyncadd.s32 $0xFFFE8000  }
0xcb: {  	_ =	sfence.sel $0x180000  }
0xcc: {  	[bflag:$0x0] =	sbarrier.arrive $0xFFFF  }
0xcd: {  	_ =	strace $0x9000004A  }
0xce: {  	s0 =	stileid.u32;
	[bflag:$0x2] =	sbarrier.arrive $0xFFFF  }
0xcf: {  	p0 =	sne.s32 s0, $0x0;
	s0 =	rddreg [dreg:$0x3]  }
0xd0: {  	s0 =	sadd.s32 @!p0 $0x100000, s0  }
0xd1: {  	[sflag:s0] =	ssyncadd.tile.s32 @!p0 $0x1;
	_ =	shalt  }
.Lfunc_end2:
_tile_overlayer_lowered:
.L_overlay_start_2:
0xd2: {  	(tag) =	ssettag $0x2  }
0xd3: {  	s0 =	rddreg [dreg:$0x0];
	s2 =	stileid.u32  }
0xd4: {  	s1 =	rddreg [dreg:$0x1];
	p0 =	sne.s32 s2, $0x0  }
0xd5: {  	s3 =	rddreg [dreg:$0x2];
	[bflag:$0x3] =	sbarrier.arrive $0xFFFF;
	s2 =	simm.s32 @!p0 $0x1C03  }
0xd6: {  	[timem:s3], [sflag:s2] =	dma.local @!p0 [hbm:s0], s1  }
0xd7: {  	s0 =	simm.s32 @!p0 $0x3  }
0xd8: {  	_ =	swait.ge @!p0 [sflag:s0], s1  }
0xd9: {  	s1 =	ssub.s32 @!p0 $0x0, s1;
	[sflag:s0] =	ssyncset.done @!p0 $0x0  }
0xda: {  	[sflag:s0] =	ssyncadd.s32 @!p0 s1  }
0xdb: {  	[bflag:$0x3] =	sbarrier.arrive $0xFFFF  }
0xdc: {  	_ =	shalt  }

</sc_bundles>
